<compile_context>
chip_gen: v7x
topology: tpu7x:2x2x1
jax: 0.10.2.dev20260603
libtpu: 0.0.44.dev20260713+nightly
codegen_flags: <defaults>
</compile_context>

<pallas_src>
import functools

import jax
import jax.numpy as jnp
from jax import lax
from jax.experimental import pallas as pl
from jax.experimental.pallas import tpu as pltpu
from jax.experimental.pallas import tpu_sc as plsc

N = 10000
E = 320000
D = 128
H = 128
L = 3

NC = 2
NS = 16
NW = NC * NS

EW = E // NW
CH = 80
CPW = 126
EWP = CPW * CH
TRASH = N
RPS = 632
RPS_LAST = N - (NS - 1) * RPS
NBUF = 2


@functools.lru_cache(maxsize=None)
def _build_sc_aggregate():
    mesh = plsc.VectorSubcoreMesh(core_axis_name="c", subcore_axis_name="s")

    @functools.partial(
        pl.kernel,
        out_type=jax.ShapeDtypeStruct((NC, N, D), jnp.float32),
        mesh=mesh,
        scratch_types=[
            pltpu.VMEM((EWP,), jnp.int32),
            pltpu.VMEM((CPW, CH), jnp.int32),
            pltpu.VMEM((NBUF, CH, D), jnp.float32),
            pltpu.VMEM_SHARED((N + 8, D), jnp.float32),
            [pltpu.SemaphoreType.DMA] * NBUF,
        ],
    )
    def _sc_aggregate(h_hbm, src_hbm, dst_hbm, zeros_hbm, out_hbm,
                      src_v, dst_v, rows_v, agg_sh, sems):
        cid = lax.axis_index("c")
        sid = lax.axis_index("s")
        wid = cid * NS + sid
        r0 = sid * RPS
        last = sid == NS - 1

        @pl.when((cid == 0) & ~last)
        def _():
            pltpu.sync_copy(h_hbm.at[pl.ds(r0, RPS)],
                            agg_sh.at[pl.ds(r0, RPS)])

        @pl.when((cid == 0) & last)
        def _():
            pltpu.sync_copy(h_hbm.at[pl.ds(r0, RPS_LAST)],
                            agg_sh.at[pl.ds(r0, RPS_LAST)])

        @pl.when((cid != 0) & ~last)
        def _():
            pltpu.sync_copy(zeros_hbm, agg_sh.at[pl.ds(r0, RPS)])

        @pl.when((cid != 0) & last)
        def _():
            pltpu.sync_copy(zeros_hbm.at[pl.ds(0, RPS_LAST)],
                            agg_sh.at[pl.ds(r0, RPS_LAST)])

        pltpu.sync_copy(src_hbm.at[wid], src_v)
        pltpu.sync_copy(dst_hbm.at[wid], dst_v)

        for j in range(NBUF):
            pltpu.async_copy(h_hbm.at[src_v.at[pl.ds(j * CH, CH)]],
                             rows_v.at[j], sems[j])

        plsc.subcore_barrier()

        def body(i, carry):
            for j in range(NBUF):
                c = i * NBUF + j
                pltpu.make_async_copy(
                    h_hbm.at[src_v.at[pl.ds(c * CH, CH)]],
                    rows_v.at[j], sems[j]).wait()
                pltpu.sync_copy(rows_v.at[j], agg_sh.at[dst_v.at[c]],
                                add=True)

                @pl.when(c + NBUF < CPW)
                def _():
                    pltpu.async_copy(
                        h_hbm.at[src_v.at[pl.ds((c + NBUF) * CH, CH)]],
                        rows_v.at[j], sems[j])
            return carry

        lax.fori_loop(0, CPW // NBUF, body, 0)

        plsc.subcore_barrier()

        @pl.when(~last)
        def _():
            pltpu.sync_copy(agg_sh.at[pl.ds(r0, RPS)],
                            out_hbm.at[cid].at[pl.ds(r0, RPS)])

        @pl.when(last)
        def _():
            pltpu.sync_copy(agg_sh.at[pl.ds(r0, RPS_LAST)],
                            out_hbm.at[cid].at[pl.ds(r0, RPS_LAST)])

    return _sc_aggregate


BN = 1000
NBLK = N // BN


def _mlp_body(r0_ref, r1_ref, w1_ref, b1_ref, w2_ref, b2_ref,
              h_out_ref, ro_ref):
    rst = r0_ref[...] + r1_ref[...]
    t = jnp.maximum(
        jnp.dot(rst, w1_ref[...], preferred_element_type=jnp.float32)
        + b1_ref[...][None, :], 0.0)
    o = (jnp.dot(t, w2_ref[...], preferred_element_type=jnp.float32)
         + b2_ref[...][None, :])
    h_out_ref[...] = o

    @pl.when(pl.program_id(0) == 0)
    def _():
        ro_ref[...] = jnp.zeros_like(ro_ref)

    ro_ref[...] += jnp.sum(o, axis=0, keepdims=True)


def _mlp_layer(r0, r1, W1, b1, W2, b2):
    return pl.pallas_call(
        _mlp_body,
        grid=(NBLK,),
        in_specs=[
            pl.BlockSpec((BN, D), lambda i: (i, 0)),
            pl.BlockSpec((BN, D), lambda i: (i, 0)),
            pl.BlockSpec((D, H), lambda i: (0, 0)),
            pl.BlockSpec((H,), lambda i: (0,)),
            pl.BlockSpec((H, H), lambda i: (0, 0)),
            pl.BlockSpec((H,), lambda i: (0,)),
        ],
        out_specs=[
            pl.BlockSpec((BN, H), lambda i: (i, 0)),
            pl.BlockSpec((1, H), lambda i: (0, 0)),
        ],
        out_shape=[
            jax.ShapeDtypeStruct((N, H), jnp.float32),
            jax.ShapeDtypeStruct((1, H), jnp.float32),
        ],
    )(r0, r1, W1, b1, W2, b2)


def _head_body(ro_ref, wr_ref, br_ref, y_ref):
    y_ref[...] = (jnp.sum(ro_ref[...] * wr_ref[...]) + br_ref[0])[None, None]


def _head(ro_all, Wr_r, br):
    return pl.pallas_call(
        _head_body,
        in_specs=[
            pl.BlockSpec((L, H), lambda: (0, 0)),
            pl.BlockSpec((L, H), lambda: (0, 0)),
            pl.BlockSpec(memory_space=pltpu.SMEM),
        ],
        out_specs=pl.BlockSpec((1, 1), lambda: (0, 0)),
        out_shape=jax.ShapeDtypeStruct((1, 1), jnp.float32),
    )(ro_all, Wr_r, br)


def kernel(h, edge_index, W1_0, b1_0, W2_0, b2_0, W1_1, b1_1, W2_1, b2_1,
           W1_2, b1_2, W2_2, b2_2, Wr, br):
    src = jnp.pad(edge_index[0].reshape(NW, EW), ((0, 0), (0, EWP - EW)),
                  constant_values=0)
    trash = (TRASH + (jnp.arange(NW, dtype=jnp.int32) % 8))[:, None]
    dst = jnp.concatenate(
        [edge_index[1].reshape(NW, EW),
         jnp.broadcast_to(trash, (NW, EWP - EW))], axis=1,
    ).reshape(NW, CPW, CH)
    zeros_init = jnp.zeros((RPS, D), jnp.float32)
    params = [(W1_0, b1_0, W2_0, b2_0), (W1_1, b1_1, W2_1, b2_1),
              (W1_2, b1_2, W2_2, b2_2)]
    Wr_r = Wr.reshape(L, H)

    sc_aggregate = _build_sc_aggregate()
    ros = []
    for (W1, b1, W2, b2) in params:
        parts = sc_aggregate(h, src, dst, zeros_init)
        h, ro = _mlp_layer(parts[0], parts[1], W1, b1, W2, b2)
        ros.append(ro)

    ro_all = jnp.concatenate(ros, axis=0)
    return _head(ro_all, Wr_r, br)

# --- scband reference (transcript-rebuilt; emitter-appended) ---
"""Pipeline reference for scband-gin-mas-2757369004100 (READ-ONLY COPY).

The authoritative reference and input builder live on the scoring server;
editing this copy changes nothing except your own understanding.
"""

import jax, jax.numpy as jnp
import numpy as np

N = 10000
E = 320000
D = 128
H = 128
L = 3

def setup_inputs(seed: int = 0):
    key = jax.random.key(seed)
    ks = jax.random.split(key, 2 + 4 * L + 2)
    inp = {}
    inp["h"] = jax.random.normal(ks[0], (N, D), dtype=jnp.float32)
    inp["edge_index"] = jax.random.randint(ks[1], (2, E), 0, N, dtype=jnp.int32)
    for i in range(L):
        in_d = D if i == 0 else H
        inp["W1_%d" % i] = jax.random.normal(ks[2 + 4 * i], (in_d, H), dtype=jnp.float32) * (1.0 / np.sqrt(in_d))
        inp["b1_%d" % i] = jnp.zeros((H,), dtype=jnp.float32)
        inp["W2_%d" % i] = jax.random.normal(ks[3 + 4 * i], (H, H), dtype=jnp.float32) * (1.0 / np.sqrt(H))
        inp["b2_%d" % i] = jnp.zeros((H,), dtype=jnp.float32)
    inp["Wr"] = jax.random.normal(ks[2 + 4 * L], (H * L, 1), dtype=jnp.float32) * (1.0 / np.sqrt(H * L))
    inp["br"] = jnp.zeros((1,), dtype=jnp.float32)
    return inp

def reference(h, edge_index, W1_0, b1_0, W2_0, b2_0, W1_1, b1_1, W2_1, b2_1, W1_2, b1_2, W2_2, b2_2, Wr, br):
    # GIN_MAS forward: num_layers GIN layers (aggregator='sum', eps=0), each followed
    # by a whole-graph sum readout; readouts concatenated and passed through a linear head.
    src = edge_index[0]
    dst = edge_index[1]
    params = [(W1_0, b1_0, W2_0, b2_0), (W1_1, b1_1, W2_1, b2_1), (W1_2, b1_2, W2_2, b2_2)]
    outs = []
    for (W1, b1, W2, b2) in params:
        # GINConv (sum aggregator, eps=0): rst = h + sum_{j in N(i)} h_j
        msgs = h[src]                                   # gather (SparseCore)
        agg = jax.ops.segment_sum(msgs, dst, num_segments=N)  # scatter-add
        rst = h + agg
        # apply_func = MLP: fc2(relu(fc1(x)))
        h = jnp.maximum(rst @ W1 + b1, 0.0) @ W2 + b2
        # dgl.readout_nodes(g, h, op='sum') for a single graph -> [1, H]
        outs.append(jnp.sum(h, axis=0, keepdims=True))
    hg = jnp.concatenate(outs, axis=1)                  # [1, H*L]
    return hg @ Wr + br                                 # [1, 1]

if __name__ == "__main__":
    import jax
    _d = setup_inputs()
    print(jax.jit(kernel)(*tuple(_d.values())))

</pallas_src>

<mosaic_0001>
#map = affine_map<(d0, d1) -> (0, 0)>
#map1 = affine_map<(d0, d1) -> (0, 0, 0)>
module attributes {stable_mosaic.version = 14 : i64} {
  func.func @_sc_aggregate(%arg0: i32, %arg1: i32, %arg2: memref<10000x128xf32, #tpu.memory_space<hbm>>, %arg3: memref<32x10080xi32, #tpu.memory_space<hbm>>, %arg4: memref<32x126x80xi32, #tpu.memory_space<hbm>>, %arg5: memref<632x128xf32, #tpu.memory_space<hbm>>, %arg6: memref<2x10000x128xf32, #tpu.memory_space<hbm>>, %arg7: memref<10080xi32, #tpu.memory_space<vmem>>, %arg8: memref<126x80xi32, #tpu.memory_space<vmem>>, %arg9: memref<2x80x128xf32, #tpu.memory_space<vmem>>, %arg10: memref<10008x128xf32, #tpu.memory_space<vmem_shared>>, %arg11: memref<!tpu.dma_semaphore, #tpu.memory_space<semaphore_mem>>, %arg12: memref<!tpu.dma_semaphore, #tpu.memory_space<semaphore_mem>>) attributes {dimension_semantics = [#tpu.dimension_semantics<core_parallel>, #tpu.dimension_semantics<subcore_parallel>], iteration_bounds = array<i64: 2, 16>, scalar_prefetch = 0 : i64, scratch_operands = 6 : i64, tpu.core_type = #tpu.core_type<sc_vector_subcore>, window_params = [{transform_indices = #map}, {transform_indices = #map}, {transform_indices = #map1}, {transform_indices = #map}, {transform_indices = #map1}]} {
    %mul3A = arith.constant 16 : i32
    %mul3A_0 = arith.muli %arg0, %mul3A : i32
    %add3A = arith.addi %mul3A_0, %arg1 : i32
    %mul3A_1 = arith.constant 632 : i32
    %mul3A_2 = arith.muli %arg1, %mul3A_1 : i32
    %eq3A = arith.constant 15 : i32
    %eq3A_3 = arith.cmpi eq, %arg1, %eq3A : i32
    %eq3A_4 = arith.constant 0 : i32
    %eq3A_5 = arith.cmpi eq, %arg0, %eq3A_4 : i32
    %not3A = arith.constant true
    %not3A_6 = arith.xori %eq3A_3, %not3A : i1
    %and3A = arith.andi %eq3A_5, %not3A_6 : i1
    %convert_element_type3A = arith.extui %and3A : i1 to i32
    %cond3A = arith.constant 0 : i32
    %cond3A_7 = arith.cmpi ne, %convert_element_type3A, %cond3A : i32
    scf.if %cond3A_7 {
      "tpu.region"() ({
        %run_scoped3A = tpu.sem_alloc : memref<!tpu.dma_semaphore, #tpu.memory_space<semaphore_mem>>
        %dma_start3A_60 = arith.constant 0 : i32
        %dma_start3A_61 = tpu.memref_slice %arg10[%mul3A_2, %dma_start3A_60] : memref<10008x128xf32, #tpu.memory_space<vmem_shared>> -> memref<632x128xf32, #tpu.memory_space<vmem_shared>>
        %dma_start3A_62 = arith.constant 0 : i32
        %dma_start3A_63 = tpu.memref_slice %arg2[%mul3A_2, %dma_start3A_62] : memref<10000x128xf32, #tpu.memory_space<hbm>> -> memref<632x128xf32, #tpu.memory_space<hbm>>
        tpu.enqueue_dma source(%dma_start3A_63 : memref<632x128xf32, #tpu.memory_space<hbm>>) target(%dma_start3A_61 : memref<632x128xf32, #tpu.memory_space<vmem_shared>>) target_semaphore(%run_scoped3A : memref<!tpu.dma_semaphore, #tpu.memory_space<semaphore_mem>>)
        %dma_wait3A = arith.constant 0 : i32
        %dma_wait3A_64 = tpu.memref_slice %arg10[%mul3A_2, %dma_wait3A] : memref<10008x128xf32, #tpu.memory_space<vmem_shared>> -> memref<632x128xf32, #tpu.memory_space<vmem_shared>>
        %dma_wait3A_65 = arith.constant 0 : i32
        %dma_wait3A_66 = tpu.memref_slice %arg2[%mul3A_2, %dma_wait3A_65] : memref<10000x128xf32, #tpu.memory_space<hbm>> -> memref<632x128xf32, #tpu.memory_space<hbm>>
        tpu.wait_dma2 semaphore(%run_scoped3A : memref<!tpu.dma_semaphore, #tpu.memory_space<semaphore_mem>>) src(%dma_wait3A_66 : memref<632x128xf32, #tpu.memory_space<hbm>>) dst(%dma_wait3A_64 : memref<632x128xf32, #tpu.memory_space<vmem_shared>>)
        tpu.yield
      }) : () -> ()
    } else {
    }
    %eq3A_8 = arith.constant 0 : i32
    %eq3A_9 = arith.cmpi eq, %arg0, %eq3A_8 : i32
    %and3A_10 = arith.andi %eq3A_9, %eq3A_3 : i1
    %convert_element_type3A_11 = arith.extui %and3A_10 : i1 to i32
    %cond3A_12 = arith.constant 0 : i32
    %cond3A_13 = arith.cmpi ne, %convert_element_type3A_11, %cond3A_12 : i32
    scf.if %cond3A_13 {
      "tpu.region"() ({
        %run_scoped3A = tpu.sem_alloc : memref<!tpu.dma_semaphore, #tpu.memory_space<semaphore_mem>>
        %dma_start3A_60 = arith.constant 0 : i32
        %dma_start3A_61 = tpu.memref_slice %arg10[%mul3A_2, %dma_start3A_60] : memref<10008x128xf32, #tpu.memory_space<vmem_shared>> -> memref<520x128xf32, #tpu.memory_space<vmem_shared>>
        %dma_start3A_62 = arith.constant 0 : i32
        %dma_start3A_63 = tpu.memref_slice %arg2[%mul3A_2, %dma_start3A_62] : memref<10000x128xf32, #tpu.memory_space<hbm>> -> memref<520x128xf32, #tpu.memory_space<hbm>>
        tpu.enqueue_dma source(%dma_start3A_63 : memref<520x128xf32, #tpu.memory_space<hbm>>) target(%dma_start3A_61 : memref<520x128xf32, #tpu.memory_space<vmem_shared>>) target_semaphore(%run_scoped3A : memref<!tpu.dma_semaphore, #tpu.memory_space<semaphore_mem>>)
        %dma_wait3A = arith.constant 0 : i32
        %dma_wait3A_64 = tpu.memref_slice %arg10[%mul3A_2, %dma_wait3A] : memref<10008x128xf32, #tpu.memory_space<vmem_shared>> -> memref<520x128xf32, #tpu.memory_space<vmem_shared>>
        %dma_wait3A_65 = arith.constant 0 : i32
        %dma_wait3A_66 = tpu.memref_slice %arg2[%mul3A_2, %dma_wait3A_65] : memref<10000x128xf32, #tpu.memory_space<hbm>> -> memref<520x128xf32, #tpu.memory_space<hbm>>
        tpu.wait_dma2 semaphore(%run_scoped3A : memref<!tpu.dma_semaphore, #tpu.memory_space<semaphore_mem>>) src(%dma_wait3A_66 : memref<520x128xf32, #tpu.memory_space<hbm>>) dst(%dma_wait3A_64 : memref<520x128xf32, #tpu.memory_space<vmem_shared>>)
        tpu.yield
      }) : () -> ()
    } else {
    }
    %ne3A = arith.constant 0 : i32
    %ne3A_14 = arith.cmpi ne, %arg0, %ne3A : i32
    %not3A_15 = arith.constant true
    %not3A_16 = arith.xori %eq3A_3, %not3A_15 : i1
    %and3A_17 = arith.andi %ne3A_14, %not3A_16 : i1
    %convert_element_type3A_18 = arith.extui %and3A_17 : i1 to i32
    %cond3A_19 = arith.constant 0 : i32
    %cond3A_20 = arith.cmpi ne, %convert_element_type3A_18, %cond3A_19 : i32
    scf.if %cond3A_20 {
      "tpu.region"() ({
        %run_scoped3A = tpu.sem_alloc : memref<!tpu.dma_semaphore, #tpu.memory_space<semaphore_mem>>
        %dma_start3A_60 = arith.constant 0 : i32
        %dma_start3A_61 = tpu.memref_slice %arg10[%mul3A_2, %dma_start3A_60] : memref<10008x128xf32, #tpu.memory_space<vmem_shared>> -> memref<632x128xf32, #tpu.memory_space<vmem_shared>>
        tpu.enqueue_dma source(%arg5 : memref<632x128xf32, #tpu.memory_space<hbm>>) target(%dma_start3A_61 : memref<632x128xf32, #tpu.memory_space<vmem_shared>>) target_semaphore(%run_scoped3A : memref<!tpu.dma_semaphore, #tpu.memory_space<semaphore_mem>>)
        %dma_wait3A = arith.constant 0 : i32
        %dma_wait3A_62 = tpu.memref_slice %arg10[%mul3A_2, %dma_wait3A] : memref<10008x128xf32, #tpu.memory_space<vmem_shared>> -> memref<632x128xf32, #tpu.memory_space<vmem_shared>>
        tpu.wait_dma2 semaphore(%run_scoped3A : memref<!tpu.dma_semaphore, #tpu.memory_space<semaphore_mem>>) src(%arg5 : memref<632x128xf32, #tpu.memory_space<hbm>>) dst(%dma_wait3A_62 : memref<632x128xf32, #tpu.memory_space<vmem_shared>>)
        tpu.yield
      }) : () -> ()
    } else {
    }
    %ne3A_21 = arith.constant 0 : i32
    %ne3A_22 = arith.cmpi ne, %arg0, %ne3A_21 : i32
    %and3A_23 = arith.andi %ne3A_22, %eq3A_3 : i1
    %convert_element_type3A_24 = arith.extui %and3A_23 : i1 to i32
    %cond3A_25 = arith.constant 0 : i32
    %cond3A_26 = arith.cmpi ne, %convert_element_type3A_24, %cond3A_25 : i32
    scf.if %cond3A_26 {
      "tpu.region"() ({
        %run_scoped3A = tpu.sem_alloc : memref<!tpu.dma_semaphore, #tpu.memory_space<semaphore_mem>>
        %dma_start3A_60 = arith.constant 0 : i32
        %dma_start3A_61 = tpu.memref_slice %arg10[%mul3A_2, %dma_start3A_60] : memref<10008x128xf32, #tpu.memory_space<vmem_shared>> -> memref<520x128xf32, #tpu.memory_space<vmem_shared>>
        %dma_start3A_62 = arith.constant 0 : i32
        %dma_start3A_63 = arith.constant 0 : i32
        %dma_start3A_64 = tpu.memref_slice %arg5[%dma_start3A_62, %dma_start3A_63] : memref<632x128xf32, #tpu.memory_space<hbm>> -> memref<520x128xf32, #tpu.memory_space<hbm>>
        tpu.enqueue_dma source(%dma_start3A_64 : memref<520x128xf32, #tpu.memory_space<hbm>>) target(%dma_start3A_61 : memref<520x128xf32, #tpu.memory_space<vmem_shared>>) target_semaphore(%run_scoped3A : memref<!tpu.dma_semaphore, #tpu.memory_space<semaphore_mem>>)
        %dma_wait3A = arith.constant 0 : i32
        %dma_wait3A_65 = tpu.memref_slice %arg10[%mul3A_2, %dma_wait3A] : memref<10008x128xf32, #tpu.memory_space<vmem_shared>> -> memref<520x128xf32, #tpu.memory_space<vmem_shared>>
        %dma_wait3A_66 = arith.constant 0 : i32
        %dma_wait3A_67 = arith.constant 0 : i32
        %dma_wait3A_68 = tpu.memref_slice %arg5[%dma_wait3A_66, %dma_wait3A_67] : memref<632x128xf32, #tpu.memory_space<hbm>> -> memref<520x128xf32, #tpu.memory_space<hbm>>
        tpu.wait_dma2 semaphore(%run_scoped3A : memref<!tpu.dma_semaphore, #tpu.memory_space<semaphore_mem>>) src(%dma_wait3A_68 : memref<520x128xf32, #tpu.memory_space<hbm>>) dst(%dma_wait3A_65 : memref<520x128xf32, #tpu.memory_space<vmem_shared>>)
        tpu.yield
      }) : () -> ()
    } else {
    }
    "tpu.region"() ({
      %run_scoped3A = tpu.sem_alloc : memref<!tpu.dma_semaphore, #tpu.memory_space<semaphore_mem>>
      %dma_start3A_60 = arith.constant 0 : i32
      %dma_start3A_61 = tpu.memref_slice %arg3[%add3A, %dma_start3A_60] : memref<32x10080xi32, #tpu.memory_space<hbm>> -> memref<1x10080xi32, #tpu.memory_space<hbm>>
      %dma_start3A_62 = tpu.memref_squeeze %dma_start3A_61 : memref<1x10080xi32, #tpu.memory_space<hbm>> -> memref<10080xi32, #tpu.memory_space<hbm>>
      %dma_start3A_63 = arith.constant 0 : i32
      %dma_start3A_64 = tpu.memref_slice %arg3[%add3A, %dma_start3A_63] : memref<32x10080xi32, #tpu.memory_space<hbm>> -> memref<1x10080xi32, #tpu.memory_space<hbm>>
      %dma_start3A_65 = tpu.memref_squeeze %dma_start3A_64 : memref<1x10080xi32, #tpu.memory_space<hbm>> -> memref<10080xi32, #tpu.memory_space<hbm>>
      tpu.enqueue_dma source(%dma_start3A_65 : memref<10080xi32, #tpu.memory_space<hbm>>) target(%arg7 : memref<10080xi32, #tpu.memory_space<vmem>>) target_semaphore(%run_scoped3A : memref<!tpu.dma_semaphore, #tpu.memory_space<semaphore_mem>>)
      %dma_wait3A = arith.constant 0 : i32
      %dma_wait3A_66 = tpu.memref_slice %arg3[%add3A, %dma_wait3A] : memref<32x10080xi32, #tpu.memory_space<hbm>> -> memref<1x10080xi32, #tpu.memory_space<hbm>>
      %dma_wait3A_67 = tpu.memref_squeeze %dma_wait3A_66 : memref<1x10080xi32, #tpu.memory_space<hbm>> -> memref<10080xi32, #tpu.memory_space<hbm>>
      %dma_wait3A_68 = arith.constant 0 : i32
      %dma_wait3A_69 = tpu.memref_slice %arg3[%add3A, %dma_wait3A_68] : memref<32x10080xi32, #tpu.memory_space<hbm>> -> memref<1x10080xi32, #tpu.memory_space<hbm>>
      %dma_wait3A_70 = tpu.memref_squeeze %dma_wait3A_69 : memref<1x10080xi32, #tpu.memory_space<hbm>> -> memref<10080xi32, #tpu.memory_space<hbm>>
      tpu.wait_dma2 semaphore(%run_scoped3A : memref<!tpu.dma_semaphore, #tpu.memory_space<semaphore_mem>>) src(%dma_wait3A_70 : memref<10080xi32, #tpu.memory_space<hbm>>) dst(%arg7 : memref<10080xi32, #tpu.memory_space<vmem>>)
      tpu.yield
    }) : () -> ()
    "tpu.region"() ({
      %run_scoped3A = tpu.sem_alloc : memref<!tpu.dma_semaphore, #tpu.memory_space<semaphore_mem>>
      %dma_start3A_60 = arith.constant 0 : i32
      %dma_start3A_61 = arith.constant 0 : i32
      %dma_start3A_62 = tpu.memref_slice %arg4[%add3A, %dma_start3A_60, %dma_start3A_61] : memref<32x126x80xi32, #tpu.memory_space<hbm>> -> memref<1x126x80xi32, #tpu.memory_space<hbm>>
      %dma_start3A_63 = tpu.memref_squeeze %dma_start3A_62 : memref<1x126x80xi32, #tpu.memory_space<hbm>> -> memref<126x80xi32, #tpu.memory_space<hbm>>
      %dma_start3A_64 = arith.constant 0 : i32
      %dma_start3A_65 = arith.constant 0 : i32
      %dma_start3A_66 = tpu.memref_slice %arg4[%add3A, %dma_start3A_64, %dma_start3A_65] : memref<32x126x80xi32, #tpu.memory_space<hbm>> -> memref<1x126x80xi32, #tpu.memory_space<hbm>>
      %dma_start3A_67 = tpu.memref_squeeze %dma_start3A_66 : memref<1x126x80xi32, #tpu.memory_space<hbm>> -> memref<126x80xi32, #tpu.memory_space<hbm>>
      tpu.enqueue_dma source(%dma_start3A_67 : memref<126x80xi32, #tpu.memory_space<hbm>>) target(%arg8 : memref<126x80xi32, #tpu.memory_space<vmem>>) target_semaphore(%run_scoped3A : memref<!tpu.dma_semaphore, #tpu.memory_space<semaphore_mem>>)
      %dma_wait3A = arith.constant 0 : i32
      %dma_wait3A_68 = arith.constant 0 : i32
      %dma_wait3A_69 = tpu.memref_slice %arg4[%add3A, %dma_wait3A, %dma_wait3A_68] : memref<32x126x80xi32, #tpu.memory_space<hbm>> -> memref<1x126x80xi32, #tpu.memory_space<hbm>>
      %dma_wait3A_70 = tpu.memref_squeeze %dma_wait3A_69 : memref<1x126x80xi32, #tpu.memory_space<hbm>> -> memref<126x80xi32, #tpu.memory_space<hbm>>
      %dma_wait3A_71 = arith.constant 0 : i32
      %dma_wait3A_72 = arith.constant 0 : i32
      %dma_wait3A_73 = tpu.memref_slice %arg4[%add3A, %dma_wait3A_71, %dma_wait3A_72] : memref<32x126x80xi32, #tpu.memory_space<hbm>> -> memref<1x126x80xi32, #tpu.memory_space<hbm>>
      %dma_wait3A_74 = tpu.memref_squeeze %dma_wait3A_73 : memref<1x126x80xi32, #tpu.memory_space<hbm>> -> memref<126x80xi32, #tpu.memory_space<hbm>>
      tpu.wait_dma2 semaphore(%run_scoped3A : memref<!tpu.dma_semaphore, #tpu.memory_space<semaphore_mem>>) src(%dma_wait3A_74 : memref<126x80xi32, #tpu.memory_space<hbm>>) dst(%arg8 : memref<126x80xi32, #tpu.memory_space<vmem>>)
      tpu.yield
    }) : () -> ()
    %dma_start3A = arith.constant 0 : i32
    %dma_start3A_27 = arith.constant 0 : i32
    %dma_start3A_28 = arith.constant 0 : i32
    %dma_start3A_29 = tpu.memref_slice %arg9[%dma_start3A, %dma_start3A_27, %dma_start3A_28] : memref<2x80x128xf32, #tpu.memory_space<vmem>> -> memref<1x80x128xf32, #tpu.memory_space<vmem>>
    %dma_start3A_30 = tpu.memref_squeeze %dma_start3A_29 : memref<1x80x128xf32, #tpu.memory_space<vmem>> -> memref<80x128xf32, #tpu.memory_space<vmem>>
    %dma_start3A_31 = arith.constant 0 : i32
    %dma_start3A_32 = tpu.memref_slice %arg7[%dma_start3A_31] : memref<10080xi32, #tpu.memory_space<vmem>> -> memref<80xi32, #tpu.memory_space<vmem>>
    %dma_start3A_33 = arith.constant 0 : i32
    %dma_start3A_34 = arith.constant 0 : i32
    %dma_start3A_35 = tpu.memref_slice %arg2[%dma_start3A_33, %dma_start3A_34] : memref<10000x128xf32, #tpu.memory_space<hbm>> -> memref<10000x128xf32, #tpu.memory_space<hbm>>
    tpu.enqueue_indirect_dma source(%dma_start3A_35 : memref<10000x128xf32, #tpu.memory_space<hbm>>) target(%dma_start3A_30 : memref<80x128xf32, #tpu.memory_space<vmem>>) offsets(%dma_start3A_32 : memref<80xi32, #tpu.memory_space<vmem>>) semaphore(%arg11 : memref<!tpu.dma_semaphore, #tpu.memory_space<semaphore_mem>>)
    %dma_start3A_36 = arith.constant 1 : i32
    %dma_start3A_37 = arith.constant 0 : i32
    %dma_start3A_38 = arith.constant 0 : i32
    %dma_start3A_39 = tpu.memref_slice %arg9[%dma_start3A_36, %dma_start3A_37, %dma_start3A_38] : memref<2x80x128xf32, #tpu.memory_space<vmem>> -> memref<1x80x128xf32, #tpu.memory_space<vmem>>
    %dma_start3A_40 = tpu.memref_squeeze %dma_start3A_39 : memref<1x80x128xf32, #tpu.memory_space<vmem>> -> memref<80x128xf32, #tpu.memory_space<vmem>>
    %dma_start3A_41 = arith.constant 80 : i32
    %dma_start3A_42 = tpu.memref_slice %arg7[%dma_start3A_41] : memref<10080xi32, #tpu.memory_space<vmem>> -> memref<80xi32, #tpu.memory_space<vmem>>
    %dma_start3A_43 = arith.constant 0 : i32
    %dma_start3A_44 = arith.constant 0 : i32
    %dma_start3A_45 = tpu.memref_slice %arg2[%dma_start3A_43, %dma_start3A_44] : memref<10000x128xf32, #tpu.memory_space<hbm>> -> memref<10000x128xf32, #tpu.memory_space<hbm>>
    tpu.enqueue_indirect_dma source(%dma_start3A_45 : memref<10000x128xf32, #tpu.memory_space<hbm>>) target(%dma_start3A_40 : memref<80x128xf32, #tpu.memory_space<vmem>>) offsets(%dma_start3A_42 : memref<80xi32, #tpu.memory_space<vmem>>) semaphore(%arg12 : memref<!tpu.dma_semaphore, #tpu.memory_space<semaphore_mem>>)
    %barrier3A = arith.constant 0 : index
    tpu.barrier barrier_id(%barrier3A)
    %scan3A = arith.constant 0 : i32
    %scan3A_46 = arith.constant 0 : i32
    %scan3A_47 = arith.constant 63 : i32
    %scan3A_48 = arith.addi %scan3A_46, %scan3A_47 : i32
    %scan3A_49 = arith.constant 1 : i32
    scf.for %scan3A_60 = %scan3A_46 to %scan3A_48 step %scan3A_49  : i32 {
      %mul3A_61 = arith.constant 2 : i32
      %mul3A_62 = arith.muli %scan3A_60, %mul3A_61 : i32
      %add3A_63 = arith.constant 0 : i32
      %add3A_64 = arith.addi %mul3A_62, %add3A_63 : i32
      %mul3A_65 = arith.constant 80 : i32
      %mul3A_66 = arith.muli %add3A_64, %mul3A_65 : i32
      %dma_wait3A = arith.constant 0 : i32
      %dma_wait3A_67 = arith.constant 0 : i32
      %dma_wait3A_68 = arith.constant 0 : i32
      %dma_wait3A_69 = tpu.memref_slice %arg9[%dma_wait3A, %dma_wait3A_67, %dma_wait3A_68] : memref<2x80x128xf32, #tpu.memory_space<vmem>> -> memref<1x80x128xf32, #tpu.memory_space<vmem>>
      %dma_wait3A_70 = tpu.memref_squeeze %dma_wait3A_69 : memref<1x80x128xf32, #tpu.memory_space<vmem>> -> memref<80x128xf32, #tpu.memory_space<vmem>>
      %dma_wait3A_71 = tpu.memref_slice %arg7[%mul3A_66] : memref<10080xi32, #tpu.memory_space<vmem>> -> memref<80xi32, #tpu.memory_space<vmem>>
      %dma_wait3A_72 = arith.constant 0 : i32
      %dma_wait3A_73 = arith.constant 0 : i32
      %dma_wait3A_74 = tpu.memref_slice %arg2[%dma_wait3A_72, %dma_wait3A_73] : memref<10000x128xf32, #tpu.memory_space<hbm>> -> memref<10000x128xf32, #tpu.memory_space<hbm>>
      tpu.wait_indirect_dma semaphore(%arg11 : memref<!tpu.dma_semaphore, #tpu.memory_space<semaphore_mem>>) src(%dma_wait3A_74 : memref<10000x128xf32, #tpu.memory_space<hbm>>) dst(%dma_wait3A_70 : memref<80x128xf32, #tpu.memory_space<vmem>>)
      %run_scoped3A = arith.constant 0 : i32
      "tpu.region"() ({
        %run_scoped3A_104 = tpu.sem_alloc : memref<!tpu.dma_semaphore, #tpu.memory_space<semaphore_mem>>
        %dma_start3A_105 = arith.constant 0 : i32
        %dma_start3A_106 = arith.constant 0 : i32
        %dma_start3A_107 = tpu.memref_slice %arg9[%run_scoped3A, %dma_start3A_105, %dma_start3A_106] : memref<2x80x128xf32, #tpu.memory_space<vmem>> -> memref<1x80x128xf32, #tpu.memory_space<vmem>>
        %dma_start3A_108 = tpu.memref_squeeze %dma_start3A_107 : memref<1x80x128xf32, #tpu.memory_space<vmem>> -> memref<80x128xf32, #tpu.memory_space<vmem>>
        %dma_start3A_109 = arith.constant 0 : i32
        %dma_start3A_110 = tpu.memref_slice %arg8[%add3A_64, %dma_start3A_109] : memref<126x80xi32, #tpu.memory_space<vmem>> -> memref<1x80xi32, #tpu.memory_space<vmem>>
        %dma_start3A_111 = tpu.memref_squeeze %dma_start3A_110 : memref<1x80xi32, #tpu.memory_space<vmem>> -> memref<80xi32, #tpu.memory_space<vmem>>
        %dma_start3A_112 = arith.constant 0 : i32
        %dma_start3A_113 = arith.constant 0 : i32
        %dma_start3A_114 = tpu.memref_slice %arg10[%dma_start3A_112, %dma_start3A_113] : memref<10008x128xf32, #tpu.memory_space<vmem_shared>> -> memref<10008x128xf32, #tpu.memory_space<vmem_shared>>
        tpu.enqueue_indirect_dma source(%dma_start3A_108 : memref<80x128xf32, #tpu.memory_space<vmem>>) target(%dma_start3A_114 : memref<10008x128xf32, #tpu.memory_space<vmem_shared>>) offsets(%dma_start3A_111 : memref<80xi32, #tpu.memory_space<vmem>>) semaphore(%run_scoped3A_104 : memref<!tpu.dma_semaphore, #tpu.memory_space<semaphore_mem>>) {add = true}
        %dma_wait3A_115 = arith.constant 0 : i32
        %dma_wait3A_116 = arith.constant 0 : i32
        %dma_wait3A_117 = tpu.memref_slice %arg9[%run_scoped3A, %dma_wait3A_115, %dma_wait3A_116] : memref<2x80x128xf32, #tpu.memory_space<vmem>> -> memref<1x80x128xf32, #tpu.memory_space<vmem>>
        %dma_wait3A_118 = tpu.memref_squeeze %dma_wait3A_117 : memref<1x80x128xf32, #tpu.memory_space<vmem>> -> memref<80x128xf32, #tpu.memory_space<vmem>>
        %dma_wait3A_119 = arith.constant 0 : i32
        %dma_wait3A_120 = tpu.memref_slice %arg8[%add3A_64, %dma_wait3A_119] : memref<126x80xi32, #tpu.memory_space<vmem>> -> memref<1x80xi32, #tpu.memory_space<vmem>>
        %dma_wait3A_121 = tpu.memref_squeeze %dma_wait3A_120 : memref<1x80xi32, #tpu.memory_space<vmem>> -> memref<80xi32, #tpu.memory_space<vmem>>
        %dma_wait3A_122 = arith.constant 0 : i32
        %dma_wait3A_123 = arith.constant 0 : i32
        %dma_wait3A_124 = tpu.memref_slice %arg10[%dma_wait3A_122, %dma_wait3A_123] : memref<10008x128xf32, #tpu.memory_space<vmem_shared>> -> memref<10008x128xf32, #tpu.memory_space<vmem_shared>>
        tpu.wait_indirect_dma semaphore(%run_scoped3A_104 : memref<!tpu.dma_semaphore, #tpu.memory_space<semaphore_mem>>) src(%dma_wait3A_118 : memref<80x128xf32, #tpu.memory_space<vmem>>) dst(%dma_wait3A_124 : memref<10008x128xf32, #tpu.memory_space<vmem_shared>>)
        tpu.yield
      }) : () -> ()
      %add3A_75 = arith.constant 2 : i32
      %add3A_76 = arith.addi %add3A_64, %add3A_75 : i32
      %lt3A = arith.constant 126 : i32
      %lt3A_77 = arith.cmpi slt, %add3A_76, %lt3A : i32
      %convert_element_type3A_78 = arith.extui %lt3A_77 : i1 to i32
      %cond3A_79 = arith.constant 0 : i32
      %cond3A_80 = arith.cmpi ne, %convert_element_type3A_78, %cond3A_79 : i32
      scf.if %cond3A_80 {
        %add3A_104 = arith.constant 2 : i32
        %add3A_105 = arith.addi %add3A_64, %add3A_104 : i32
        %mul3A_106 = arith.constant 80 : i32
        %mul3A_107 = arith.muli %add3A_105, %mul3A_106 : i32
        %dma_start3A_108 = arith.constant 0 : i32
        %dma_start3A_109 = arith.constant 0 : i32
        %dma_start3A_110 = arith.constant 0 : i32
        %dma_start3A_111 = tpu.memref_slice %arg9[%dma_start3A_108, %dma_start3A_109, %dma_start3A_110] : memref<2x80x128xf32, #tpu.memory_space<vmem>> -> memref<1x80x128xf32, #tpu.memory_space<vmem>>
        %dma_start3A_112 = tpu.memref_squeeze %dma_start3A_111 : memref<1x80x128xf32, #tpu.memory_space<vmem>> -> memref<80x128xf32, #tpu.memory_space<vmem>>
        %dma_start3A_113 = tpu.memref_slice %arg7[%mul3A_107] : memref<10080xi32, #tpu.memory_space<vmem>> -> memref<80xi32, #tpu.memory_space<vmem>>
        %dma_start3A_114 = arith.constant 0 : i32
        %dma_start3A_115 = arith.constant 0 : i32
        %dma_start3A_116 = tpu.memref_slice %arg2[%dma_start3A_114, %dma_start3A_115] : memref<10000x128xf32, #tpu.memory_space<hbm>> -> memref<10000x128xf32, #tpu.memory_space<hbm>>
        tpu.enqueue_indirect_dma source(%dma_start3A_116 : memref<10000x128xf32, #tpu.memory_space<hbm>>) target(%dma_start3A_112 : memref<80x128xf32, #tpu.memory_space<vmem>>) offsets(%dma_start3A_113 : memref<80xi32, #tpu.memory_space<vmem>>) semaphore(%arg11 : memref<!tpu.dma_semaphore, #tpu.memory_space<semaphore_mem>>)
      } else {
      }
      %mul3A_81 = arith.constant 2 : i32
      %mul3A_82 = arith.muli %scan3A_60, %mul3A_81 : i32
      %add3A_83 = arith.constant 1 : i32
      %add3A_84 = arith.addi %mul3A_82, %add3A_83 : i32
      %mul3A_85 = arith.constant 80 : i32
      %mul3A_86 = arith.muli %add3A_84, %mul3A_85 : i32
      %dma_wait3A_87 = arith.constant 1 : i32
      %dma_wait3A_88 = arith.constant 0 : i32
      %dma_wait3A_89 = arith.constant 0 : i32
      %dma_wait3A_90 = tpu.memref_slice %arg9[%dma_wait3A_87, %dma_wait3A_88, %dma_wait3A_89] : memref<2x80x128xf32, #tpu.memory_space<vmem>> -> memref<1x80x128xf32, #tpu.memory_space<vmem>>
      %dma_wait3A_91 = tpu.memref_squeeze %dma_wait3A_90 : memref<1x80x128xf32, #tpu.memory_space<vmem>> -> memref<80x128xf32, #tpu.memory_space<vmem>>
      %dma_wait3A_92 = tpu.memref_slice %arg7[%mul3A_86] : memref<10080xi32, #tpu.memory_space<vmem>> -> memref<80xi32, #tpu.memory_space<vmem>>
      %dma_wait3A_93 = arith.constant 0 : i32
      %dma_wait3A_94 = arith.constant 0 : i32
      %dma_wait3A_95 = tpu.memref_slice %arg2[%dma_wait3A_93, %dma_wait3A_94] : memref<10000x128xf32, #tpu.memory_space<hbm>> -> memref<10000x128xf32, #tpu.memory_space<hbm>>
      tpu.wait_indirect_dma semaphore(%arg12 : memref<!tpu.dma_semaphore, #tpu.memory_space<semaphore_mem>>) src(%dma_wait3A_95 : memref<10000x128xf32, #tpu.memory_space<hbm>>) dst(%dma_wait3A_91 : memref<80x128xf32, #tpu.memory_space<vmem>>)
      %run_scoped3A_96 = arith.constant 1 : i32
      "tpu.region"() ({
        %run_scoped3A_104 = tpu.sem_alloc : memref<!tpu.dma_semaphore, #tpu.memory_space<semaphore_mem>>
        %dma_start3A_105 = arith.constant 0 : i32
        %dma_start3A_106 = arith.constant 0 : i32
        %dma_start3A_107 = tpu.memref_slice %arg9[%run_scoped3A_96, %dma_start3A_105, %dma_start3A_106] : memref<2x80x128xf32, #tpu.memory_space<vmem>> -> memref<1x80x128xf32, #tpu.memory_space<vmem>>
        %dma_start3A_108 = tpu.memref_squeeze %dma_start3A_107 : memref<1x80x128xf32, #tpu.memory_space<vmem>> -> memref<80x128xf32, #tpu.memory_space<vmem>>
        %dma_start3A_109 = arith.constant 0 : i32
        %dma_start3A_110 = tpu.memref_slice %arg8[%add3A_84, %dma_start3A_109] : memref<126x80xi32, #tpu.memory_space<vmem>> -> memref<1x80xi32, #tpu.memory_space<vmem>>
        %dma_start3A_111 = tpu.memref_squeeze %dma_start3A_110 : memref<1x80xi32, #tpu.memory_space<vmem>> -> memref<80xi32, #tpu.memory_space<vmem>>
        %dma_start3A_112 = arith.constant 0 : i32
        %dma_start3A_113 = arith.constant 0 : i32
        %dma_start3A_114 = tpu.memref_slice %arg10[%dma_start3A_112, %dma_start3A_113] : memref<10008x128xf32, #tpu.memory_space<vmem_shared>> -> memref<10008x128xf32, #tpu.memory_space<vmem_shared>>
        tpu.enqueue_indirect_dma source(%dma_start3A_108 : memref<80x128xf32, #tpu.memory_space<vmem>>) target(%dma_start3A_114 : memref<10008x128xf32, #tpu.memory_space<vmem_shared>>) offsets(%dma_start3A_111 : memref<80xi32, #tpu.memory_space<vmem>>) semaphore(%run_scoped3A_104 : memref<!tpu.dma_semaphore, #tpu.memory_space<semaphore_mem>>) {add = true}
        %dma_wait3A_115 = arith.constant 0 : i32
        %dma_wait3A_116 = arith.constant 0 : i32
        %dma_wait3A_117 = tpu.memref_slice %arg9[%run_scoped3A_96, %dma_wait3A_115, %dma_wait3A_116] : memref<2x80x128xf32, #tpu.memory_space<vmem>> -> memref<1x80x128xf32, #tpu.memory_space<vmem>>
        %dma_wait3A_118 = tpu.memref_squeeze %dma_wait3A_117 : memref<1x80x128xf32, #tpu.memory_space<vmem>> -> memref<80x128xf32, #tpu.memory_space<vmem>>
        %dma_wait3A_119 = arith.constant 0 : i32
        %dma_wait3A_120 = tpu.memref_slice %arg8[%add3A_84, %dma_wait3A_119] : memref<126x80xi32, #tpu.memory_space<vmem>> -> memref<1x80xi32, #tpu.memory_space<vmem>>
        %dma_wait3A_121 = tpu.memref_squeeze %dma_wait3A_120 : memref<1x80xi32, #tpu.memory_space<vmem>> -> memref<80xi32, #tpu.memory_space<vmem>>
        %dma_wait3A_122 = arith.constant 0 : i32
        %dma_wait3A_123 = arith.constant 0 : i32
        %dma_wait3A_124 = tpu.memref_slice %arg10[%dma_wait3A_122, %dma_wait3A_123] : memref<10008x128xf32, #tpu.memory_space<vmem_shared>> -> memref<10008x128xf32, #tpu.memory_space<vmem_shared>>
        tpu.wait_indirect_dma semaphore(%run_scoped3A_104 : memref<!tpu.dma_semaphore, #tpu.memory_space<semaphore_mem>>) src(%dma_wait3A_118 : memref<80x128xf32, #tpu.memory_space<vmem>>) dst(%dma_wait3A_124 : memref<10008x128xf32, #tpu.memory_space<vmem_shared>>)
        tpu.yield
      }) : () -> ()
      %add3A_97 = arith.constant 2 : i32
      %add3A_98 = arith.addi %add3A_84, %add3A_97 : i32
      %lt3A_99 = arith.constant 126 : i32
      %lt3A_100 = arith.cmpi slt, %add3A_98, %lt3A_99 : i32
      %convert_element_type3A_101 = arith.extui %lt3A_100 : i1 to i32
      %cond3A_102 = arith.constant 0 : i32
      %cond3A_103 = arith.cmpi ne, %convert_element_type3A_101, %cond3A_102 : i32
      scf.if %cond3A_103 {
        %add3A_104 = arith.constant 2 : i32
        %add3A_105 = arith.addi %add3A_84, %add3A_104 : i32
        %mul3A_106 = arith.constant 80 : i32
        %mul3A_107 = arith.muli %add3A_105, %mul3A_106 : i32
        %dma_start3A_108 = arith.constant 1 : i32
        %dma_start3A_109 = arith.constant 0 : i32
        %dma_start3A_110 = arith.constant 0 : i32
        %dma_start3A_111 = tpu.memref_slice %arg9[%dma_start3A_108, %dma_start3A_109, %dma_start3A_110] : memref<2x80x128xf32, #tpu.memory_space<vmem>> -> memref<1x80x128xf32, #tpu.memory_space<vmem>>
        %dma_start3A_112 = tpu.memref_squeeze %dma_start3A_111 : memref<1x80x128xf32, #tpu.memory_space<vmem>> -> memref<80x128xf32, #tpu.memory_space<vmem>>
        %dma_start3A_113 = tpu.memref_slice %arg7[%mul3A_107] : memref<10080xi32, #tpu.memory_space<vmem>> -> memref<80xi32, #tpu.memory_space<vmem>>
        %dma_start3A_114 = arith.constant 0 : i32
        %dma_start3A_115 = arith.constant 0 : i32
        %dma_start3A_116 = tpu.memref_slice %arg2[%dma_start3A_114, %dma_start3A_115] : memref<10000x128xf32, #tpu.memory_space<hbm>> -> memref<10000x128xf32, #tpu.memory_space<hbm>>
        tpu.enqueue_indirect_dma source(%dma_start3A_116 : memref<10000x128xf32, #tpu.memory_space<hbm>>) target(%dma_start3A_112 : memref<80x128xf32, #tpu.memory_space<vmem>>) offsets(%dma_start3A_113 : memref<80xi32, #tpu.memory_space<vmem>>) semaphore(%arg12 : memref<!tpu.dma_semaphore, #tpu.memory_space<semaphore_mem>>)
      } else {
      }
    }
    %scan3A_50 = arith.constant 63 : i32
    %barrier3A_51 = arith.constant 0 : index
    tpu.barrier barrier_id(%barrier3A_51)
    %not3A_52 = arith.constant true
    %not3A_53 = arith.xori %eq3A_3, %not3A_52 : i1
    %convert_element_type3A_54 = arith.extui %not3A_53 : i1 to i32
    %cond3A_55 = arith.constant 0 : i32
    %cond3A_56 = arith.cmpi ne, %convert_element_type3A_54, %cond3A_55 : i32
    scf.if %cond3A_56 {
      "tpu.region"() ({
        %run_scoped3A = tpu.sem_alloc : memref<!tpu.dma_semaphore, #tpu.memory_space<semaphore_mem>>
        %dma_start3A_60 = arith.constant 0 : i32
        %dma_start3A_61 = arith.constant 0 : i32
        %dma_start3A_62 = tpu.memref_slice %arg6[%arg0, %dma_start3A_60, %dma_start3A_61] : memref<2x10000x128xf32, #tpu.memory_space<hbm>> -> memref<1x10000x128xf32, #tpu.memory_space<hbm>>
        %dma_start3A_63 = tpu.memref_squeeze %dma_start3A_62 : memref<1x10000x128xf32, #tpu.memory_space<hbm>> -> memref<10000x128xf32, #tpu.memory_space<hbm>>
        %dma_start3A_64 = arith.constant 0 : i32
        %dma_start3A_65 = tpu.memref_slice %dma_start3A_63[%mul3A_2, %dma_start3A_64] : memref<10000x128xf32, #tpu.memory_space<hbm>> -> memref<632x128xf32, #tpu.memory_space<hbm>>
        %dma_start3A_66 = arith.constant 0 : i32
        %dma_start3A_67 = tpu.memref_slice %arg10[%mul3A_2, %dma_start3A_66] : memref<10008x128xf32, #tpu.memory_space<vmem_shared>> -> memref<632x128xf32, #tpu.memory_space<vmem_shared>>
        tpu.enqueue_dma source(%dma_start3A_67 : memref<632x128xf32, #tpu.memory_space<vmem_shared>>) target(%dma_start3A_65 : memref<632x128xf32, #tpu.memory_space<hbm>>) target_semaphore(%run_scoped3A : memref<!tpu.dma_semaphore, #tpu.memory_space<semaphore_mem>>)
        %dma_wait3A = arith.constant 0 : i32
        %dma_wait3A_68 = arith.constant 0 : i32
        %dma_wait3A_69 = tpu.memref_slice %arg6[%arg0, %dma_wait3A, %dma_wait3A_68] : memref<2x10000x128xf32, #tpu.memory_space<hbm>> -> memref<1x10000x128xf32, #tpu.memory_space<hbm>>
        %dma_wait3A_70 = tpu.memref_squeeze %dma_wait3A_69 : memref<1x10000x128xf32, #tpu.memory_space<hbm>> -> memref<10000x128xf32, #tpu.memory_space<hbm>>
        %dma_wait3A_71 = arith.constant 0 : i32
        %dma_wait3A_72 = tpu.memref_slice %dma_wait3A_70[%mul3A_2, %dma_wait3A_71] : memref<10000x128xf32, #tpu.memory_space<hbm>> -> memref<632x128xf32, #tpu.memory_space<hbm>>
        %dma_wait3A_73 = arith.constant 0 : i32
        %dma_wait3A_74 = tpu.memref_slice %arg10[%mul3A_2, %dma_wait3A_73] : memref<10008x128xf32, #tpu.memory_space<vmem_shared>> -> memref<632x128xf32, #tpu.memory_space<vmem_shared>>
        tpu.wait_dma2 semaphore(%run_scoped3A : memref<!tpu.dma_semaphore, #tpu.memory_space<semaphore_mem>>) src(%dma_wait3A_74 : memref<632x128xf32, #tpu.memory_space<vmem_shared>>) dst(%dma_wait3A_72 : memref<632x128xf32, #tpu.memory_space<hbm>>)
        tpu.yield
      }) : () -> ()
    } else {
    }
    %convert_element_type3A_57 = arith.extui %eq3A_3 : i1 to i32
    %cond3A_58 = arith.constant 0 : i32
    %cond3A_59 = arith.cmpi ne, %convert_element_type3A_57, %cond3A_58 : i32
    scf.if %cond3A_59 {
      "tpu.region"() ({
        %run_scoped3A = tpu.sem_alloc : memref<!tpu.dma_semaphore, #tpu.memory_space<semaphore_mem>>
        %dma_start3A_60 = arith.constant 0 : i32
        %dma_start3A_61 = arith.constant 0 : i32
        %dma_start3A_62 = tpu.memref_slice %arg6[%arg0, %dma_start3A_60, %dma_start3A_61] : memref<2x10000x128xf32, #tpu.memory_space<hbm>> -> memref<1x10000x128xf32, #tpu.memory_space<hbm>>
        %dma_start3A_63 = tpu.memref_squeeze %dma_start3A_62 : memref<1x10000x128xf32, #tpu.memory_space<hbm>> -> memref<10000x128xf32, #tpu.memory_space<hbm>>
        %dma_start3A_64 = arith.constant 0 : i32
        %dma_start3A_65 = tpu.memref_slice %dma_start3A_63[%mul3A_2, %dma_start3A_64] : memref<10000x128xf32, #tpu.memory_space<hbm>> -> memref<520x128xf32, #tpu.memory_space<hbm>>
        %dma_start3A_66 = arith.constant 0 : i32
        %dma_start3A_67 = tpu.memref_slice %arg10[%mul3A_2, %dma_start3A_66] : memref<10008x128xf32, #tpu.memory_space<vmem_shared>> -> memref<520x128xf32, #tpu.memory_space<vmem_shared>>
        tpu.enqueue_dma source(%dma_start3A_67 : memref<520x128xf32, #tpu.memory_space<vmem_shared>>) target(%dma_start3A_65 : memref<520x128xf32, #tpu.memory_space<hbm>>) target_semaphore(%run_scoped3A : memref<!tpu.dma_semaphore, #tpu.memory_space<semaphore_mem>>)
        %dma_wait3A = arith.constant 0 : i32
        %dma_wait3A_68 = arith.constant 0 : i32
        %dma_wait3A_69 = tpu.memref_slice %arg6[%arg0, %dma_wait3A, %dma_wait3A_68] : memref<2x10000x128xf32, #tpu.memory_space<hbm>> -> memref<1x10000x128xf32, #tpu.memory_space<hbm>>
        %dma_wait3A_70 = tpu.memref_squeeze %dma_wait3A_69 : memref<1x10000x128xf32, #tpu.memory_space<hbm>> -> memref<10000x128xf32, #tpu.memory_space<hbm>>
        %dma_wait3A_71 = arith.constant 0 : i32
        %dma_wait3A_72 = tpu.memref_slice %dma_wait3A_70[%mul3A_2, %dma_wait3A_71] : memref<10000x128xf32, #tpu.memory_space<hbm>> -> memref<520x128xf32, #tpu.memory_space<hbm>>
        %dma_wait3A_73 = arith.constant 0 : i32
        %dma_wait3A_74 = tpu.memref_slice %arg10[%mul3A_2, %dma_wait3A_73] : memref<10008x128xf32, #tpu.memory_space<vmem_shared>> -> memref<520x128xf32, #tpu.memory_space<vmem_shared>>
        tpu.wait_dma2 semaphore(%run_scoped3A : memref<!tpu.dma_semaphore, #tpu.memory_space<semaphore_mem>>) src(%dma_wait3A_74 : memref<520x128xf32, #tpu.memory_space<vmem_shared>>) dst(%dma_wait3A_72 : memref<520x128xf32, #tpu.memory_space<hbm>>)
        tpu.yield
      }) : () -> ()
    } else {
    }
    return
  }
}

#map = affine_map<(d0, d1) -> (0, 0)>
#map1 = affine_map<(d0, d1) -> (0, 0, 0)>
module attributes {stable_mosaic.version = 14 : i64} {
  func.func @_sc_aggregate(%arg0: i32, %arg1: i32, %arg2: memref<10000x128xf32, #tpu.memory_space<hbm>>, %arg3: memref<32x10080xi32, #tpu.memory_space<hbm>>, %arg4: memref<32x126x80xi32, #tpu.memory_space<hbm>>, %arg5: memref<632x128xf32, #tpu.memory_space<hbm>>, %arg6: memref<2x10000x128xf32, #tpu.memory_space<hbm>>, %arg7: memref<10080xi32, #tpu.memory_space<vmem>>, %arg8: memref<126x80xi32, #tpu.memory_space<vmem>>, %arg9: memref<2x80x128xf32, #tpu.memory_space<vmem>>, %arg10: memref<10008x128xf32, #tpu.memory_space<vmem_shared>>, %arg11: memref<!tpu.dma_semaphore, #tpu.memory_space<semaphore_mem>>, %arg12: memref<!tpu.dma_semaphore, #tpu.memory_space<semaphore_mem>>) attributes {dimension_semantics = [#tpu.dimension_semantics<core_parallel>, #tpu.dimension_semantics<subcore_parallel>], iteration_bounds = array<i64: 2, 16>, scalar_prefetch = 0 : i64, scratch_operands = 6 : i64, tpu.core_type = #tpu.core_type<sc_vector_subcore>, window_params = [{transform_indices = #map}, {transform_indices = #map}, {transform_indices = #map1}, {transform_indices = #map}, {transform_indices = #map1}]} {
    %mul3A = arith.constant 16 : i32
    %mul3A_0 = arith.muli %arg0, %mul3A : i32
    %add3A = arith.addi %mul3A_0, %arg1 : i32
    %mul3A_1 = arith.constant 632 : i32
    %mul3A_2 = arith.muli %arg1, %mul3A_1 : i32
    %eq3A = arith.constant 15 : i32
    %eq3A_3 = arith.cmpi eq, %arg1, %eq3A : i32
    %eq3A_4 = arith.constant 0 : i32
    %eq3A_5 = arith.cmpi eq, %arg0, %eq3A_4 : i32
    %not3A = arith.constant true
    %not3A_6 = arith.xori %eq3A_3, %not3A : i1
    %and3A = arith.andi %eq3A_5, %not3A_6 : i1
    %convert_element_type3A = arith.extui %and3A : i1 to i32
    %cond3A = arith.constant 0 : i32
    %cond3A_7 = arith.cmpi ne, %convert_element_type3A, %cond3A : i32
    scf.if %cond3A_7 {
      "tpu.region"() ({
        %run_scoped3A = tpu.sem_alloc : memref<!tpu.dma_semaphore, #tpu.memory_space<semaphore_mem>>
        %dma_start3A_60 = arith.constant 0 : i32
        %dma_start3A_61 = tpu.memref_slice %arg10[%mul3A_2, %dma_start3A_60] : memref<10008x128xf32, #tpu.memory_space<vmem_shared>> -> memref<632x128xf32, #tpu.memory_space<vmem_shared>>
        %dma_start3A_62 = arith.constant 0 : i32
        %dma_start3A_63 = tpu.memref_slice %arg2[%mul3A_2, %dma_start3A_62] : memref<10000x128xf32, #tpu.memory_space<hbm>> -> memref<632x128xf32, #tpu.memory_space<hbm>>
        tpu.enqueue_dma source(%dma_start3A_63 : memref<632x128xf32, #tpu.memory_space<hbm>>) target(%dma_start3A_61 : memref<632x128xf32, #tpu.memory_space<vmem_shared>>) target_semaphore(%run_scoped3A : memref<!tpu.dma_semaphore, #tpu.memory_space<semaphore_mem>>)
        %dma_wait3A = arith.constant 0 : i32
        %dma_wait3A_64 = tpu.memref_slice %arg10[%mul3A_2, %dma_wait3A] : memref<10008x128xf32, #tpu.memory_space<vmem_shared>> -> memref<632x128xf32, #tpu.memory_space<vmem_shared>>
        %dma_wait3A_65 = arith.constant 0 : i32
        %dma_wait3A_66 = tpu.memref_slice %arg2[%mul3A_2, %dma_wait3A_65] : memref<10000x128xf32, #tpu.memory_space<hbm>> -> memref<632x128xf32, #tpu.memory_space<hbm>>
        tpu.wait_dma2 semaphore(%run_scoped3A : memref<!tpu.dma_semaphore, #tpu.memory_space<semaphore_mem>>) src(%dma_wait3A_66 : memref<632x128xf32, #tpu.memory_space<hbm>>) dst(%dma_wait3A_64 : memref<632x128xf32, #tpu.memory_space<vmem_shared>>)
        tpu.yield
      }) : () -> ()
    } else {
    }
    %eq3A_8 = arith.constant 0 : i32
    %eq3A_9 = arith.cmpi eq, %arg0, %eq3A_8 : i32
    %and3A_10 = arith.andi %eq3A_9, %eq3A_3 : i1
    %convert_element_type3A_11 = arith.extui %and3A_10 : i1 to i32
    %cond3A_12 = arith.constant 0 : i32
    %cond3A_13 = arith.cmpi ne, %convert_element_type3A_11, %cond3A_12 : i32
    scf.if %cond3A_13 {
      "tpu.region"() ({
        %run_scoped3A = tpu.sem_alloc : memref<!tpu.dma_semaphore, #tpu.memory_space<semaphore_mem>>
        %dma_start3A_60 = arith.constant 0 : i32
        %dma_start3A_61 = tpu.memref_slice %arg10[%mul3A_2, %dma_start3A_60] : memref<10008x128xf32, #tpu.memory_space<vmem_shared>> -> memref<520x128xf32, #tpu.memory_space<vmem_shared>>
        %dma_start3A_62 = arith.constant 0 : i32
        %dma_start3A_63 = tpu.memref_slice %arg2[%mul3A_2, %dma_start3A_62] : memref<10000x128xf32, #tpu.memory_space<hbm>> -> memref<520x128xf32, #tpu.memory_space<hbm>>
        tpu.enqueue_dma source(%dma_start3A_63 : memref<520x128xf32, #tpu.memory_space<hbm>>) target(%dma_start3A_61 : memref<520x128xf32, #tpu.memory_space<vmem_shared>>) target_semaphore(%run_scoped3A : memref<!tpu.dma_semaphore, #tpu.memory_space<semaphore_mem>>)
        %dma_wait3A = arith.constant 0 : i32
        %dma_wait3A_64 = tpu.memref_slice %arg10[%mul3A_2, %dma_wait3A] : memref<10008x128xf32, #tpu.memory_space<vmem_shared>> -> memref<520x128xf32, #tpu.memory_space<vmem_shared>>
        %dma_wait3A_65 = arith.constant 0 : i32
        %dma_wait3A_66 = tpu.memref_slice %arg2[%mul3A_2, %dma_wait3A_65] : memref<10000x128xf32, #tpu.memory_space<hbm>> -> memref<520x128xf32, #tpu.memory_space<hbm>>
        tpu.wait_dma2 semaphore(%run_scoped3A : memref<!tpu.dma_semaphore, #tpu.memory_space<semaphore_mem>>) src(%dma_wait3A_66 : memref<520x128xf32, #tpu.memory_space<hbm>>) dst(%dma_wait3A_64 : memref<520x128xf32, #tpu.memory_space<vmem_shared>>)
        tpu.yield
      }) : () -> ()
    } else {
    }
    %ne3A = arith.constant 0 : i32
    %ne3A_14 = arith.cmpi ne, %arg0, %ne3A : i32
    %not3A_15 = arith.constant true
    %not3A_16 = arith.xori %eq3A_3, %not3A_15 : i1
    %and3A_17 = arith.andi %ne3A_14, %not3A_16 : i1
    %convert_element_type3A_18 = arith.extui %and3A_17 : i1 to i32
    %cond3A_19 = arith.constant 0 : i32
    %cond3A_20 = arith.cmpi ne, %convert_element_type3A_18, %cond3A_19 : i32
    scf.if %cond3A_20 {
      "tpu.region"() ({
        %run_scoped3A = tpu.sem_alloc : memref<!tpu.dma_semaphore, #tpu.memory_space<semaphore_mem>>
        %dma_start3A_60 = arith.constant 0 : i32
        %dma_start3A_61 = tpu.memref_slice %arg10[%mul3A_2, %dma_start3A_60] : memref<10008x128xf32, #tpu.memory_space<vmem_shared>> -> memref<632x128xf32, #tpu.memory_space<vmem_shared>>
        tpu.enqueue_dma source(%arg5 : memref<632x128xf32, #tpu.memory_space<hbm>>) target(%dma_start3A_61 : memref<632x128xf32, #tpu.memory_space<vmem_shared>>) target_semaphore(%run_scoped3A : memref<!tpu.dma_semaphore, #tpu.memory_space<semaphore_mem>>)
        %dma_wait3A = arith.constant 0 : i32
        %dma_wait3A_62 = tpu.memref_slice %arg10[%mul3A_2, %dma_wait3A] : memref<10008x128xf32, #tpu.memory_space<vmem_shared>> -> memref<632x128xf32, #tpu.memory_space<vmem_shared>>
        tpu.wait_dma2 semaphore(%run_scoped3A : memref<!tpu.dma_semaphore, #tpu.memory_space<semaphore_mem>>) src(%arg5 : memref<632x128xf32, #tpu.memory_space<hbm>>) dst(%dma_wait3A_62 : memref<632x128xf32, #tpu.memory_space<vmem_shared>>)
        tpu.yield
      }) : () -> ()
    } else {
    }
    %ne3A_21 = arith.constant 0 : i32
    %ne3A_22 = arith.cmpi ne, %arg0, %ne3A_21 : i32
    %and3A_23 = arith.andi %ne3A_22, %eq3A_3 : i1
    %convert_element_type3A_24 = arith.extui %and3A_23 : i1 to i32
    %cond3A_25 = arith.constant 0 : i32
    %cond3A_26 = arith.cmpi ne, %convert_element_type3A_24, %cond3A_25 : i32
    scf.if %cond3A_26 {
      "tpu.region"() ({
        %run_scoped3A = tpu.sem_alloc : memref<!tpu.dma_semaphore, #tpu.memory_space<semaphore_mem>>
        %dma_start3A_60 = arith.constant 0 : i32
        %dma_start3A_61 = tpu.memref_slice %arg10[%mul3A_2, %dma_start3A_60] : memref<10008x128xf32, #tpu.memory_space<vmem_shared>> -> memref<520x128xf32, #tpu.memory_space<vmem_shared>>
        %dma_start3A_62 = arith.constant 0 : i32
        %dma_start3A_63 = arith.constant 0 : i32
        %dma_start3A_64 = tpu.memref_slice %arg5[%dma_start3A_62, %dma_start3A_63] : memref<632x128xf32, #tpu.memory_space<hbm>> -> memref<520x128xf32, #tpu.memory_space<hbm>>
        tpu.enqueue_dma source(%dma_start3A_64 : memref<520x128xf32, #tpu.memory_space<hbm>>) target(%dma_start3A_61 : memref<520x128xf32, #tpu.memory_space<vmem_shared>>) target_semaphore(%run_scoped3A : memref<!tpu.dma_semaphore, #tpu.memory_space<semaphore_mem>>)
        %dma_wait3A = arith.constant 0 : i32
        %dma_wait3A_65 = tpu.memref_slice %arg10[%mul3A_2, %dma_wait3A] : memref<10008x128xf32, #tpu.memory_space<vmem_shared>> -> memref<520x128xf32, #tpu.memory_space<vmem_shared>>
        %dma_wait3A_66 = arith.constant 0 : i32
        %dma_wait3A_67 = arith.constant 0 : i32
        %dma_wait3A_68 = tpu.memref_slice %arg5[%dma_wait3A_66, %dma_wait3A_67] : memref<632x128xf32, #tpu.memory_space<hbm>> -> memref<520x128xf32, #tpu.memory_space<hbm>>
        tpu.wait_dma2 semaphore(%run_scoped3A : memref<!tpu.dma_semaphore, #tpu.memory_space<semaphore_mem>>) src(%dma_wait3A_68 : memref<520x128xf32, #tpu.memory_space<hbm>>) dst(%dma_wait3A_65 : memref<520x128xf32, #tpu.memory_space<vmem_shared>>)
        tpu.yield
      }) : () -> ()
    } else {
    }
    "tpu.region"() ({
      %run_scoped3A = tpu.sem_alloc : memref<!tpu.dma_semaphore, #tpu.memory_space<semaphore_mem>>
      %dma_start3A_60 = arith.constant 0 : i32
      %dma_start3A_61 = tpu.memref_slice %arg3[%add3A, %dma_start3A_60] : memref<32x10080xi32, #tpu.memory_space<hbm>> -> memref<1x10080xi32, #tpu.memory_space<hbm>>
      %dma_start3A_62 = tpu.memref_squeeze %dma_start3A_61 : memref<1x10080xi32, #tpu.memory_space<hbm>> -> memref<10080xi32, #tpu.memory_space<hbm>>
      %dma_start3A_63 = arith.constant 0 : i32
      %dma_start3A_64 = tpu.memref_slice %arg3[%add3A, %dma_start3A_63] : memref<32x10080xi32, #tpu.memory_space<hbm>> -> memref<1x10080xi32, #tpu.memory_space<hbm>>
      %dma_start3A_65 = tpu.memref_squeeze %dma_start3A_64 : memref<1x10080xi32, #tpu.memory_space<hbm>> -> memref<10080xi32, #tpu.memory_space<hbm>>
      tpu.enqueue_dma source(%dma_start3A_65 : memref<10080xi32, #tpu.memory_space<hbm>>) target(%arg7 : memref<10080xi32, #tpu.memory_space<vmem>>) target_semaphore(%run_scoped3A : memref<!tpu.dma_semaphore, #tpu.memory_space<semaphore_mem>>)
      %dma_wait3A = arith.constant 0 : i32
      %dma_wait3A_66 = tpu.memref_slice %arg3[%add3A, %dma_wait3A] : memref<32x10080xi32, #tpu.memory_space<hbm>> -> memref<1x10080xi32, #tpu.memory_space<hbm>>
      %dma_wait3A_67 = tpu.memref_squeeze %dma_wait3A_66 : memref<1x10080xi32, #tpu.memory_space<hbm>> -> memref<10080xi32, #tpu.memory_space<hbm>>
      %dma_wait3A_68 = arith.constant 0 : i32
      %dma_wait3A_69 = tpu.memref_slice %arg3[%add3A, %dma_wait3A_68] : memref<32x10080xi32, #tpu.memory_space<hbm>> -> memref<1x10080xi32, #tpu.memory_space<hbm>>
      %dma_wait3A_70 = tpu.memref_squeeze %dma_wait3A_69 : memref<1x10080xi32, #tpu.memory_space<hbm>> -> memref<10080xi32, #tpu.memory_space<hbm>>
      tpu.wait_dma2 semaphore(%run_scoped3A : memref<!tpu.dma_semaphore, #tpu.memory_space<semaphore_mem>>) src(%dma_wait3A_70 : memref<10080xi32, #tpu.memory_space<hbm>>) dst(%arg7 : memref<10080xi32, #tpu.memory_space<vmem>>)
      tpu.yield
    }) : () -> ()
    "tpu.region"() ({
      %run_scoped3A = tpu.sem_alloc : memref<!tpu.dma_semaphore, #tpu.memory_space<semaphore_mem>>
      %dma_start3A_60 = arith.constant 0 : i32
      %dma_start3A_61 = arith.constant 0 : i32
      %dma_start3A_62 = tpu.memref_slice %arg4[%add3A, %dma_start3A_60, %dma_start3A_61] : memref<32x126x80xi32, #tpu.memory_space<hbm>> -> memref<1x126x80xi32, #tpu.memory_space<hbm>>
      %dma_start3A_63 = tpu.memref_squeeze %dma_start3A_62 : memref<1x126x80xi32, #tpu.memory_space<hbm>> -> memref<126x80xi32, #tpu.memory_space<hbm>>
      %dma_start3A_64 = arith.constant 0 : i32
      %dma_start3A_65 = arith.constant 0 : i32
      %dma_start3A_66 = tpu.memref_slice %arg4[%add3A, %dma_start3A_64, %dma_start3A_65] : memref<32x126x80xi32, #tpu.memory_space<hbm>> -> memref<1x126x80xi32, #tpu.memory_space<hbm>>
      %dma_start3A_67 = tpu.memref_squeeze %dma_start3A_66 : memref<1x126x80xi32, #tpu.memory_space<hbm>> -> memref<126x80xi32, #tpu.memory_space<hbm>>
      tpu.enqueue_dma source(%dma_start3A_67 : memref<126x80xi32, #tpu.memory_space<hbm>>) target(%arg8 : memref<126x80xi32, #tpu.memory_space<vmem>>) target_semaphore(%run_scoped3A : memref<!tpu.dma_semaphore, #tpu.memory_space<semaphore_mem>>)
      %dma_wait3A = arith.constant 0 : i32
      %dma_wait3A_68 = arith.constant 0 : i32
      %dma_wait3A_69 = tpu.memref_slice %arg4[%add3A, %dma_wait3A, %dma_wait3A_68] : memref<32x126x80xi32, #tpu.memory_space<hbm>> -> memref<1x126x80xi32, #tpu.memory_space<hbm>>
      %dma_wait3A_70 = tpu.memref_squeeze %dma_wait3A_69 : memref<1x126x80xi32, #tpu.memory_space<hbm>> -> memref<126x80xi32, #tpu.memory_space<hbm>>
      %dma_wait3A_71 = arith.constant 0 : i32
      %dma_wait3A_72 = arith.constant 0 : i32
      %dma_wait3A_73 = tpu.memref_slice %arg4[%add3A, %dma_wait3A_71, %dma_wait3A_72] : memref<32x126x80xi32, #tpu.memory_space<hbm>> -> memref<1x126x80xi32, #tpu.memory_space<hbm>>
      %dma_wait3A_74 = tpu.memref_squeeze %dma_wait3A_73 : memref<1x126x80xi32, #tpu.memory_space<hbm>> -> memref<126x80xi32, #tpu.memory_space<hbm>>
      tpu.wait_dma2 semaphore(%run_scoped3A : memref<!tpu.dma_semaphore, #tpu.memory_space<semaphore_mem>>) src(%dma_wait3A_74 : memref<126x80xi32, #tpu.memory_space<hbm>>) dst(%arg8 : memref<126x80xi32, #tpu.memory_space<vmem>>)
      tpu.yield
    }) : () -> ()
    %dma_start3A = arith.constant 0 : i32
    %dma_start3A_27 = arith.constant 0 : i32
    %dma_start3A_28 = arith.constant 0 : i32
    %dma_start3A_29 = tpu.memref_slice %arg9[%dma_start3A, %dma_start3A_27, %dma_start3A_28] : memref<2x80x128xf32, #tpu.memory_space<vmem>> -> memref<1x80x128xf32, #tpu.memory_space<vmem>>
    %dma_start3A_30 = tpu.memref_squeeze %dma_start3A_29 : memref<1x80x128xf32, #tpu.memory_space<vmem>> -> memref<80x128xf32, #tpu.memory_space<vmem>>
    %dma_start3A_31 = arith.constant 0 : i32
    %dma_start3A_32 = tpu.memref_slice %arg7[%dma_start3A_31] : memref<10080xi32, #tpu.memory_space<vmem>> -> memref<80xi32, #tpu.memory_space<vmem>>
    %dma_start3A_33 = arith.constant 0 : i32
    %dma_start3A_34 = arith.constant 0 : i32
    %dma_start3A_35 = tpu.memref_slice %arg2[%dma_start3A_33, %dma_start3A_34] : memref<10000x128xf32, #tpu.memory_space<hbm>> -> memref<10000x128xf32, #tpu.memory_space<hbm>>
    tpu.enqueue_indirect_dma source(%dma_start3A_35 : memref<10000x128xf32, #tpu.memory_space<hbm>>) target(%dma_start3A_30 : memref<80x128xf32, #tpu.memory_space<vmem>>) offsets(%dma_start3A_32 : memref<80xi32, #tpu.memory_space<vmem>>) semaphore(%arg11 : memref<!tpu.dma_semaphore, #tpu.memory_space<semaphore_mem>>)
    %dma_start3A_36 = arith.constant 1 : i32
    %dma_start3A_37 = arith.constant 0 : i32
    %dma_start3A_38 = arith.constant 0 : i32
    %dma_start3A_39 = tpu.memref_slice %arg9[%dma_start3A_36, %dma_start3A_37, %dma_start3A_38] : memref<2x80x128xf32, #tpu.memory_space<vmem>> -> memref<1x80x128xf32, #tpu.memory_space<vmem>>
    %dma_start3A_40 = tpu.memref_squeeze %dma_start3A_39 : memref<1x80x128xf32, #tpu.memory_space<vmem>> -> memref<80x128xf32, #tpu.memory_space<vmem>>
    %dma_start3A_41 = arith.constant 80 : i32
    %dma_start3A_42 = tpu.memref_slice %arg7[%dma_start3A_41] : memref<10080xi32, #tpu.memory_space<vmem>> -> memref<80xi32, #tpu.memory_space<vmem>>
    %dma_start3A_43 = arith.constant 0 : i32
    %dma_start3A_44 = arith.constant 0 : i32
    %dma_start3A_45 = tpu.memref_slice %arg2[%dma_start3A_43, %dma_start3A_44] : memref<10000x128xf32, #tpu.memory_space<hbm>> -> memref<10000x128xf32, #tpu.memory_space<hbm>>
    tpu.enqueue_indirect_dma source(%dma_start3A_45 : memref<10000x128xf32, #tpu.memory_space<hbm>>) target(%dma_start3A_40 : memref<80x128xf32, #tpu.memory_space<vmem>>) offsets(%dma_start3A_42 : memref<80xi32, #tpu.memory_space<vmem>>) semaphore(%arg12 : memref<!tpu.dma_semaphore, #tpu.memory_space<semaphore_mem>>)
    %barrier3A = arith.constant 0 : index
    tpu.barrier barrier_id(%barrier3A)
    %scan3A = arith.constant 0 : i32
    %scan3A_46 = arith.constant 0 : i32
    %scan3A_47 = arith.constant 63 : i32
    %scan3A_48 = arith.addi %scan3A_46, %scan3A_47 : i32
    %scan3A_49 = arith.constant 1 : i32
    scf.for %scan3A_60 = %scan3A_46 to %scan3A_48 step %scan3A_49  : i32 {
      %mul3A_61 = arith.constant 2 : i32
      %mul3A_62 = arith.muli %scan3A_60, %mul3A_61 : i32
      %add3A_63 = arith.constant 0 : i32
      %add3A_64 = arith.addi %mul3A_62, %add3A_63 : i32
      %mul3A_65 = arith.constant 80 : i32
      %mul3A_66 = arith.muli %add3A_64, %mul3A_65 : i32
      %dma_wait3A = arith.constant 0 : i32
      %dma_wait3A_67 = arith.constant 0 : i32
      %dma_wait3A_68 = arith.constant 0 : i32
      %dma_wait3A_69 = tpu.memref_slice %arg9[%dma_wait3A, %dma_wait3A_67, %dma_wait3A_68] : memref<2x80x128xf32, #tpu.memory_space<vmem>> -> memref<1x80x128xf32, #tpu.memory_space<vmem>>
      %dma_wait3A_70 = tpu.memref_squeeze %dma_wait3A_69 : memref<1x80x128xf32, #tpu.memory_space<vmem>> -> memref<80x128xf32, #tpu.memory_space<vmem>>
      %dma_wait3A_71 = tpu.memref_slice %arg7[%mul3A_66] : memref<10080xi32, #tpu.memory_space<vmem>> -> memref<80xi32, #tpu.memory_space<vmem>>
      %dma_wait3A_72 = arith.constant 0 : i32
      %dma_wait3A_73 = arith.constant 0 : i32
      %dma_wait3A_74 = tpu.memref_slice %arg2[%dma_wait3A_72, %dma_wait3A_73] : memref<10000x128xf32, #tpu.memory_space<hbm>> -> memref<10000x128xf32, #tpu.memory_space<hbm>>
      tpu.wait_indirect_dma semaphore(%arg11 : memref<!tpu.dma_semaphore, #tpu.memory_space<semaphore_mem>>) src(%dma_wait3A_74 : memref<10000x128xf32, #tpu.memory_space<hbm>>) dst(%dma_wait3A_70 : memref<80x128xf32, #tpu.memory_space<vmem>>)
      %run_scoped3A = arith.constant 0 : i32
      "tpu.region"() ({
        %run_scoped3A_104 = tpu.sem_alloc : memref<!tpu.dma_semaphore, #tpu.memory_space<semaphore_mem>>
        %dma_start3A_105 = arith.constant 0 : i32
        %dma_start3A_106 = arith.constant 0 : i32
        %dma_start3A_107 = tpu.memref_slice %arg9[%run_scoped3A, %dma_start3A_105, %dma_start3A_106] : memref<2x80x128xf32, #tpu.memory_space<vmem>> -> memref<1x80x128xf32, #tpu.memory_space<vmem>>
        %dma_start3A_108 = tpu.memref_squeeze %dma_start3A_107 : memref<1x80x128xf32, #tpu.memory_space<vmem>> -> memref<80x128xf32, #tpu.memory_space<vmem>>
        %dma_start3A_109 = arith.constant 0 : i32
        %dma_start3A_110 = tpu.memref_slice %arg8[%add3A_64, %dma_start3A_109] : memref<126x80xi32, #tpu.memory_space<vmem>> -> memref<1x80xi32, #tpu.memory_space<vmem>>
        %dma_start3A_111 = tpu.memref_squeeze %dma_start3A_110 : memref<1x80xi32, #tpu.memory_space<vmem>> -> memref<80xi32, #tpu.memory_space<vmem>>
        %dma_start3A_112 = arith.constant 0 : i32
        %dma_start3A_113 = arith.constant 0 : i32
        %dma_start3A_114 = tpu.memref_slice %arg10[%dma_start3A_112, %dma_start3A_113] : memref<10008x128xf32, #tpu.memory_space<vmem_shared>> -> memref<10008x128xf32, #tpu.memory_space<vmem_shared>>
        tpu.enqueue_indirect_dma source(%dma_start3A_108 : memref<80x128xf32, #tpu.memory_space<vmem>>) target(%dma_start3A_114 : memref<10008x128xf32, #tpu.memory_space<vmem_shared>>) offsets(%dma_start3A_111 : memref<80xi32, #tpu.memory_space<vmem>>) semaphore(%run_scoped3A_104 : memref<!tpu.dma_semaphore, #tpu.memory_space<semaphore_mem>>) {add = true}
        %dma_wait3A_115 = arith.constant 0 : i32
        %dma_wait3A_116 = arith.constant 0 : i32
        %dma_wait3A_117 = tpu.memref_slice %arg9[%run_scoped3A, %dma_wait3A_115, %dma_wait3A_116] : memref<2x80x128xf32, #tpu.memory_space<vmem>> -> memref<1x80x128xf32, #tpu.memory_space<vmem>>
        %dma_wait3A_118 = tpu.memref_squeeze %dma_wait3A_117 : memref<1x80x128xf32, #tpu.memory_space<vmem>> -> memref<80x128xf32, #tpu.memory_space<vmem>>
        %dma_wait3A_119 = arith.constant 0 : i32
        %dma_wait3A_120 = tpu.memref_slice %arg8[%add3A_64, %dma_wait3A_119] : memref<126x80xi32, #tpu.memory_space<vmem>> -> memref<1x80xi32, #tpu.memory_space<vmem>>
        %dma_wait3A_121 = tpu.memref_squeeze %dma_wait3A_120 : memref<1x80xi32, #tpu.memory_space<vmem>> -> memref<80xi32, #tpu.memory_space<vmem>>
        %dma_wait3A_122 = arith.constant 0 : i32
        %dma_wait3A_123 = arith.constant 0 : i32
        %dma_wait3A_124 = tpu.memref_slice %arg10[%dma_wait3A_122, %dma_wait3A_123] : memref<10008x128xf32, #tpu.memory_space<vmem_shared>> -> memref<10008x128xf32, #tpu.memory_space<vmem_shared>>
        tpu.wait_indirect_dma semaphore(%run_scoped3A_104 : memref<!tpu.dma_semaphore, #tpu.memory_space<semaphore_mem>>) src(%dma_wait3A_118 : memref<80x128xf32, #tpu.memory_space<vmem>>) dst(%dma_wait3A_124 : memref<10008x128xf32, #tpu.memory_space<vmem_shared>>)
        tpu.yield
      }) : () -> ()
      %add3A_75 = arith.constant 2 : i32
      %add3A_76 = arith.addi %add3A_64, %add3A_75 : i32
      %lt3A = arith.constant 126 : i32
      %lt3A_77 = arith.cmpi slt, %add3A_76, %lt3A : i32
      %convert_element_type3A_78 = arith.extui %lt3A_77 : i1 to i32
      %cond3A_79 = arith.constant 0 : i32
      %cond3A_80 = arith.cmpi ne, %convert_element_type3A_78, %cond3A_79 : i32
      scf.if %cond3A_80 {
        %add3A_104 = arith.constant 2 : i32
        %add3A_105 = arith.addi %add3A_64, %add3A_104 : i32
        %mul3A_106 = arith.constant 80 : i32
        %mul3A_107 = arith.muli %add3A_105, %mul3A_106 : i32
        %dma_start3A_108 = arith.constant 0 : i32
        %dma_start3A_109 = arith.constant 0 : i32
        %dma_start3A_110 = arith.constant 0 : i32
        %dma_start3A_111 = tpu.memref_slice %arg9[%dma_start3A_108, %dma_start3A_109, %dma_start3A_110] : memref<2x80x128xf32, #tpu.memory_space<vmem>> -> memref<1x80x128xf32, #tpu.memory_space<vmem>>
        %dma_start3A_112 = tpu.memref_squeeze %dma_start3A_111 : memref<1x80x128xf32, #tpu.memory_space<vmem>> -> memref<80x128xf32, #tpu.memory_space<vmem>>
        %dma_start3A_113 = tpu.memref_slice %arg7[%mul3A_107] : memref<10080xi32, #tpu.memory_space<vmem>> -> memref<80xi32, #tpu.memory_space<vmem>>
        %dma_start3A_114 = arith.constant 0 : i32
        %dma_start3A_115 = arith.constant 0 : i32
        %dma_start3A_116 = tpu.memref_slice %arg2[%dma_start3A_114, %dma_start3A_115] : memref<10000x128xf32, #tpu.memory_space<hbm>> -> memref<10000x128xf32, #tpu.memory_space<hbm>>
        tpu.enqueue_indirect_dma source(%dma_start3A_116 : memref<10000x128xf32, #tpu.memory_space<hbm>>) target(%dma_start3A_112 : memref<80x128xf32, #tpu.memory_space<vmem>>) offsets(%dma_start3A_113 : memref<80xi32, #tpu.memory_space<vmem>>) semaphore(%arg11 : memref<!tpu.dma_semaphore, #tpu.memory_space<semaphore_mem>>)
      } else {
      }
      %mul3A_81 = arith.constant 2 : i32
      %mul3A_82 = arith.muli %scan3A_60, %mul3A_81 : i32
      %add3A_83 = arith.constant 1 : i32
      %add3A_84 = arith.addi %mul3A_82, %add3A_83 : i32
      %mul3A_85 = arith.constant 80 : i32
      %mul3A_86 = arith.muli %add3A_84, %mul3A_85 : i32
      %dma_wait3A_87 = arith.constant 1 : i32
      %dma_wait3A_88 = arith.constant 0 : i32
      %dma_wait3A_89 = arith.constant 0 : i32
      %dma_wait3A_90 = tpu.memref_slice %arg9[%dma_wait3A_87, %dma_wait3A_88, %dma_wait3A_89] : memref<2x80x128xf32, #tpu.memory_space<vmem>> -> memref<1x80x128xf32, #tpu.memory_space<vmem>>
      %dma_wait3A_91 = tpu.memref_squeeze %dma_wait3A_90 : memref<1x80x128xf32, #tpu.memory_space<vmem>> -> memref<80x128xf32, #tpu.memory_space<vmem>>
      %dma_wait3A_92 = tpu.memref_slice %arg7[%mul3A_86] : memref<10080xi32, #tpu.memory_space<vmem>> -> memref<80xi32, #tpu.memory_space<vmem>>
      %dma_wait3A_93 = arith.constant 0 : i32
      %dma_wait3A_94 = arith.constant 0 : i32
      %dma_wait3A_95 = tpu.memref_slice %arg2[%dma_wait3A_93, %dma_wait3A_94] : memref<10000x128xf32, #tpu.memory_space<hbm>> -> memref<10000x128xf32, #tpu.memory_space<hbm>>
      tpu.wait_indirect_dma semaphore(%arg12 : memref<!tpu.dma_semaphore, #tpu.memory_space<semaphore_mem>>) src(%dma_wait3A_95 : memref<10000x128xf32, #tpu.memory_space<hbm>>) dst(%dma_wait3A_91 : memref<80x128xf32, #tpu.memory_space<vmem>>)
      %run_scoped3A_96 = arith.constant 1 : i32
      "tpu.region"() ({
        %run_scoped3A_104 = tpu.sem_alloc : memref<!tpu.dma_semaphore, #tpu.memory_space<semaphore_mem>>
        %dma_start3A_105 = arith.constant 0 : i32
        %dma_start3A_106 = arith.constant 0 : i32
        %dma_start3A_107 = tpu.memref_slice %arg9[%run_scoped3A_96, %dma_start3A_105, %dma_start3A_106] : memref<2x80x128xf32, #tpu.memory_space<vmem>> -> memref<1x80x128xf32, #tpu.memory_space<vmem>>
        %dma_start3A_108 = tpu.memref_squeeze %dma_start3A_107 : memref<1x80x128xf32, #tpu.memory_space<vmem>> -> memref<80x128xf32, #tpu.memory_space<vmem>>
        %dma_start3A_109 = arith.constant 0 : i32
        %dma_start3A_110 = tpu.memref_slice %arg8[%add3A_84, %dma_start3A_109] : memref<126x80xi32, #tpu.memory_space<vmem>> -> memref<1x80xi32, #tpu.memory_space<vmem>>
        %dma_start3A_111 = tpu.memref_squeeze %dma_start3A_110 : memref<1x80xi32, #tpu.memory_space<vmem>> -> memref<80xi32, #tpu.memory_space<vmem>>
        %dma_start3A_112 = arith.constant 0 : i32
        %dma_start3A_113 = arith.constant 0 : i32
        %dma_start3A_114 = tpu.memref_slice %arg10[%dma_start3A_112, %dma_start3A_113] : memref<10008x128xf32, #tpu.memory_space<vmem_shared>> -> memref<10008x128xf32, #tpu.memory_space<vmem_shared>>
        tpu.enqueue_indirect_dma source(%dma_start3A_108 : memref<80x128xf32, #tpu.memory_space<vmem>>) target(%dma_start3A_114 : memref<10008x128xf32, #tpu.memory_space<vmem_shared>>) offsets(%dma_start3A_111 : memref<80xi32, #tpu.memory_space<vmem>>) semaphore(%run_scoped3A_104 : memref<!tpu.dma_semaphore, #tpu.memory_space<semaphore_mem>>) {add = true}
        %dma_wait3A_115 = arith.constant 0 : i32
        %dma_wait3A_116 = arith.constant 0 : i32
        %dma_wait3A_117 = tpu.memref_slice %arg9[%run_scoped3A_96, %dma_wait3A_115, %dma_wait3A_116] : memref<2x80x128xf32, #tpu.memory_space<vmem>> -> memref<1x80x128xf32, #tpu.memory_space<vmem>>
        %dma_wait3A_118 = tpu.memref_squeeze %dma_wait3A_117 : memref<1x80x128xf32, #tpu.memory_space<vmem>> -> memref<80x128xf32, #tpu.memory_space<vmem>>
        %dma_wait3A_119 = arith.constant 0 : i32
        %dma_wait3A_120 = tpu.memref_slice %arg8[%add3A_84, %dma_wait3A_119] : memref<126x80xi32, #tpu.memory_space<vmem>> -> memref<1x80xi32, #tpu.memory_space<vmem>>
        %dma_wait3A_121 = tpu.memref_squeeze %dma_wait3A_120 : memref<1x80xi32, #tpu.memory_space<vmem>> -> memref<80xi32, #tpu.memory_space<vmem>>
        %dma_wait3A_122 = arith.constant 0 : i32
        %dma_wait3A_123 = arith.constant 0 : i32
        %dma_wait3A_124 = tpu.memref_slice %arg10[%dma_wait3A_122, %dma_wait3A_123] : memref<10008x128xf32, #tpu.memory_space<vmem_shared>> -> memref<10008x128xf32, #tpu.memory_space<vmem_shared>>
        tpu.wait_indirect_dma semaphore(%run_scoped3A_104 : memref<!tpu.dma_semaphore, #tpu.memory_space<semaphore_mem>>) src(%dma_wait3A_118 : memref<80x128xf32, #tpu.memory_space<vmem>>) dst(%dma_wait3A_124 : memref<10008x128xf32, #tpu.memory_space<vmem_shared>>)
        tpu.yield
      }) : () -> ()
      %add3A_97 = arith.constant 2 : i32
      %add3A_98 = arith.addi %add3A_84, %add3A_97 : i32
      %lt3A_99 = arith.constant 126 : i32
      %lt3A_100 = arith.cmpi slt, %add3A_98, %lt3A_99 : i32
      %convert_element_type3A_101 = arith.extui %lt3A_100 : i1 to i32
      %cond3A_102 = arith.constant 0 : i32
      %cond3A_103 = arith.cmpi ne, %convert_element_type3A_101, %cond3A_102 : i32
      scf.if %cond3A_103 {
        %add3A_104 = arith.constant 2 : i32
        %add3A_105 = arith.addi %add3A_84, %add3A_104 : i32
        %mul3A_106 = arith.constant 80 : i32
        %mul3A_107 = arith.muli %add3A_105, %mul3A_106 : i32
        %dma_start3A_108 = arith.constant 1 : i32
        %dma_start3A_109 = arith.constant 0 : i32
        %dma_start3A_110 = arith.constant 0 : i32
        %dma_start3A_111 = tpu.memref_slice %arg9[%dma_start3A_108, %dma_start3A_109, %dma_start3A_110] : memref<2x80x128xf32, #tpu.memory_space<vmem>> -> memref<1x80x128xf32, #tpu.memory_space<vmem>>
        %dma_start3A_112 = tpu.memref_squeeze %dma_start3A_111 : memref<1x80x128xf32, #tpu.memory_space<vmem>> -> memref<80x128xf32, #tpu.memory_space<vmem>>
        %dma_start3A_113 = tpu.memref_slice %arg7[%mul3A_107] : memref<10080xi32, #tpu.memory_space<vmem>> -> memref<80xi32, #tpu.memory_space<vmem>>
        %dma_start3A_114 = arith.constant 0 : i32
        %dma_start3A_115 = arith.constant 0 : i32
        %dma_start3A_116 = tpu.memref_slice %arg2[%dma_start3A_114, %dma_start3A_115] : memref<10000x128xf32, #tpu.memory_space<hbm>> -> memref<10000x128xf32, #tpu.memory_space<hbm>>
        tpu.enqueue_indirect_dma source(%dma_start3A_116 : memref<10000x128xf32, #tpu.memory_space<hbm>>) target(%dma_start3A_112 : memref<80x128xf32, #tpu.memory_space<vmem>>) offsets(%dma_start3A_113 : memref<80xi32, #tpu.memory_space<vmem>>) semaphore(%arg12 : memref<!tpu.dma_semaphore, #tpu.memory_space<semaphore_mem>>)
      } else {
      }
    }
    %scan3A_50 = arith.constant 63 : i32
    %barrier3A_51 = arith.constant 0 : index
    tpu.barrier barrier_id(%barrier3A_51)
    %not3A_52 = arith.constant true
    %not3A_53 = arith.xori %eq3A_3, %not3A_52 : i1
    %convert_element_type3A_54 = arith.extui %not3A_53 : i1 to i32
    %cond3A_55 = arith.constant 0 : i32
    %cond3A_56 = arith.cmpi ne, %convert_element_type3A_54, %cond3A_55 : i32
    scf.if %cond3A_56 {
      "tpu.region"() ({
        %run_scoped3A = tpu.sem_alloc : memref<!tpu.dma_semaphore, #tpu.memory_space<semaphore_mem>>
        %dma_start3A_60 = arith.constant 0 : i32
        %dma_start3A_61 = arith.constant 0 : i32
        %dma_start3A_62 = tpu.memref_slice %arg6[%arg0, %dma_start3A_60, %dma_start3A_61] : memref<2x10000x128xf32, #tpu.memory_space<hbm>> -> memref<1x10000x128xf32, #tpu.memory_space<hbm>>
        %dma_start3A_63 = tpu.memref_squeeze %dma_start3A_62 : memref<1x10000x128xf32, #tpu.memory_space<hbm>> -> memref<10000x128xf32, #tpu.memory_space<hbm>>
        %dma_start3A_64 = arith.constant 0 : i32
        %dma_start3A_65 = tpu.memref_slice %dma_start3A_63[%mul3A_2, %dma_start3A_64] : memref<10000x128xf32, #tpu.memory_space<hbm>> -> memref<632x128xf32, #tpu.memory_space<hbm>>
        %dma_start3A_66 = arith.constant 0 : i32
        %dma_start3A_67 = tpu.memref_slice %arg10[%mul3A_2, %dma_start3A_66] : memref<10008x128xf32, #tpu.memory_space<vmem_shared>> -> memref<632x128xf32, #tpu.memory_space<vmem_shared>>
        tpu.enqueue_dma source(%dma_start3A_67 : memref<632x128xf32, #tpu.memory_space<vmem_shared>>) target(%dma_start3A_65 : memref<632x128xf32, #tpu.memory_space<hbm>>) target_semaphore(%run_scoped3A : memref<!tpu.dma_semaphore, #tpu.memory_space<semaphore_mem>>)
        %dma_wait3A = arith.constant 0 : i32
        %dma_wait3A_68 = arith.constant 0 : i32
        %dma_wait3A_69 = tpu.memref_slice %arg6[%arg0, %dma_wait3A, %dma_wait3A_68] : memref<2x10000x128xf32, #tpu.memory_space<hbm>> -> memref<1x10000x128xf32, #tpu.memory_space<hbm>>
        %dma_wait3A_70 = tpu.memref_squeeze %dma_wait3A_69 : memref<1x10000x128xf32, #tpu.memory_space<hbm>> -> memref<10000x128xf32, #tpu.memory_space<hbm>>
        %dma_wait3A_71 = arith.constant 0 : i32
        %dma_wait3A_72 = tpu.memref_slice %dma_wait3A_70[%mul3A_2, %dma_wait3A_71] : memref<10000x128xf32, #tpu.memory_space<hbm>> -> memref<632x128xf32, #tpu.memory_space<hbm>>
        %dma_wait3A_73 = arith.constant 0 : i32
        %dma_wait3A_74 = tpu.memref_slice %arg10[%mul3A_2, %dma_wait3A_73] : memref<10008x128xf32, #tpu.memory_space<vmem_shared>> -> memref<632x128xf32, #tpu.memory_space<vmem_shared>>
        tpu.wait_dma2 semaphore(%run_scoped3A : memref<!tpu.dma_semaphore, #tpu.memory_space<semaphore_mem>>) src(%dma_wait3A_74 : memref<632x128xf32, #tpu.memory_space<vmem_shared>>) dst(%dma_wait3A_72 : memref<632x128xf32, #tpu.memory_space<hbm>>)
        tpu.yield
      }) : () -> ()
    } else {
    }
    %convert_element_type3A_57 = arith.extui %eq3A_3 : i1 to i32
    %cond3A_58 = arith.constant 0 : i32
    %cond3A_59 = arith.cmpi ne, %convert_element_type3A_57, %cond3A_58 : i32
    scf.if %cond3A_59 {
      "tpu.region"() ({
        %run_scoped3A = tpu.sem_alloc : memref<!tpu.dma_semaphore, #tpu.memory_space<semaphore_mem>>
        %dma_start3A_60 = arith.constant 0 : i32
        %dma_start3A_61 = arith.constant 0 : i32
        %dma_start3A_62 = tpu.memref_slice %arg6[%arg0, %dma_start3A_60, %dma_start3A_61] : memref<2x10000x128xf32, #tpu.memory_space<hbm>> -> memref<1x10000x128xf32, #tpu.memory_space<hbm>>
        %dma_start3A_63 = tpu.memref_squeeze %dma_start3A_62 : memref<1x10000x128xf32, #tpu.memory_space<hbm>> -> memref<10000x128xf32, #tpu.memory_space<hbm>>
        %dma_start3A_64 = arith.constant 0 : i32
        %dma_start3A_65 = tpu.memref_slice %dma_start3A_63[%mul3A_2, %dma_start3A_64] : memref<10000x128xf32, #tpu.memory_space<hbm>> -> memref<520x128xf32, #tpu.memory_space<hbm>>
        %dma_start3A_66 = arith.constant 0 : i32
        %dma_start3A_67 = tpu.memref_slice %arg10[%mul3A_2, %dma_start3A_66] : memref<10008x128xf32, #tpu.memory_space<vmem_shared>> -> memref<520x128xf32, #tpu.memory_space<vmem_shared>>
        tpu.enqueue_dma source(%dma_start3A_67 : memref<520x128xf32, #tpu.memory_space<vmem_shared>>) target(%dma_start3A_65 : memref<520x128xf32, #tpu.memory_space<hbm>>) target_semaphore(%run_scoped3A : memref<!tpu.dma_semaphore, #tpu.memory_space<semaphore_mem>>)
        %dma_wait3A = arith.constant 0 : i32
        %dma_wait3A_68 = arith.constant 0 : i32
        %dma_wait3A_69 = tpu.memref_slice %arg6[%arg0, %dma_wait3A, %dma_wait3A_68] : memref<2x10000x128xf32, #tpu.memory_space<hbm>> -> memref<1x10000x128xf32, #tpu.memory_space<hbm>>
        %dma_wait3A_70 = tpu.memref_squeeze %dma_wait3A_69 : memref<1x10000x128xf32, #tpu.memory_space<hbm>> -> memref<10000x128xf32, #tpu.memory_space<hbm>>
        %dma_wait3A_71 = arith.constant 0 : i32
        %dma_wait3A_72 = tpu.memref_slice %dma_wait3A_70[%mul3A_2, %dma_wait3A_71] : memref<10000x128xf32, #tpu.memory_space<hbm>> -> memref<520x128xf32, #tpu.memory_space<hbm>>
        %dma_wait3A_73 = arith.constant 0 : i32
        %dma_wait3A_74 = tpu.memref_slice %arg10[%mul3A_2, %dma_wait3A_73] : memref<10008x128xf32, #tpu.memory_space<vmem_shared>> -> memref<520x128xf32, #tpu.memory_space<vmem_shared>>
        tpu.wait_dma2 semaphore(%run_scoped3A : memref<!tpu.dma_semaphore, #tpu.memory_space<semaphore_mem>>) src(%dma_wait3A_74 : memref<520x128xf32, #tpu.memory_space<vmem_shared>>) dst(%dma_wait3A_72 : memref<520x128xf32, #tpu.memory_space<hbm>>)
        tpu.yield
      }) : () -> ()
    } else {
    }
    return
  }
}

#map = affine_map<(d0, d1) -> (0, 0)>
#map1 = affine_map<(d0, d1) -> (0, 0, 0)>
module attributes {stable_mosaic.version = 14 : i64} {
  func.func @_sc_aggregate(%arg0: i32, %arg1: i32, %arg2: memref<10000x128xf32, #tpu.memory_space<hbm>>, %arg3: memref<32x10080xi32, #tpu.memory_space<hbm>>, %arg4: memref<32x126x80xi32, #tpu.memory_space<hbm>>, %arg5: memref<632x128xf32, #tpu.memory_space<hbm>>, %arg6: memref<2x10000x128xf32, #tpu.memory_space<hbm>>, %arg7: memref<10080xi32, #tpu.memory_space<vmem>>, %arg8: memref<126x80xi32, #tpu.memory_space<vmem>>, %arg9: memref<2x80x128xf32, #tpu.memory_space<vmem>>, %arg10: memref<10008x128xf32, #tpu.memory_space<vmem_shared>>, %arg11: memref<!tpu.dma_semaphore, #tpu.memory_space<semaphore_mem>>, %arg12: memref<!tpu.dma_semaphore, #tpu.memory_space<semaphore_mem>>) attributes {dimension_semantics = [#tpu.dimension_semantics<core_parallel>, #tpu.dimension_semantics<subcore_parallel>], iteration_bounds = array<i64: 2, 16>, scalar_prefetch = 0 : i64, scratch_operands = 6 : i64, tpu.core_type = #tpu.core_type<sc_vector_subcore>, window_params = [{transform_indices = #map}, {transform_indices = #map}, {transform_indices = #map1}, {transform_indices = #map}, {transform_indices = #map1}]} {
    %mul3A = arith.constant 16 : i32
    %mul3A_0 = arith.muli %arg0, %mul3A : i32
    %add3A = arith.addi %mul3A_0, %arg1 : i32
    %mul3A_1 = arith.constant 632 : i32
    %mul3A_2 = arith.muli %arg1, %mul3A_1 : i32
    %eq3A = arith.constant 15 : i32
    %eq3A_3 = arith.cmpi eq, %arg1, %eq3A : i32
    %eq3A_4 = arith.constant 0 : i32
    %eq3A_5 = arith.cmpi eq, %arg0, %eq3A_4 : i32
    %not3A = arith.constant true
    %not3A_6 = arith.xori %eq3A_3, %not3A : i1
    %and3A = arith.andi %eq3A_5, %not3A_6 : i1
    %convert_element_type3A = arith.extui %and3A : i1 to i32
    %cond3A = arith.constant 0 : i32
    %cond3A_7 = arith.cmpi ne, %convert_element_type3A, %cond3A : i32
    scf.if %cond3A_7 {
      "tpu.region"() ({
        %run_scoped3A = tpu.sem_alloc : memref<!tpu.dma_semaphore, #tpu.memory_space<semaphore_mem>>
        %dma_start3A_60 = arith.constant 0 : i32
        %dma_start3A_61 = tpu.memref_slice %arg10[%mul3A_2, %dma_start3A_60] : memref<10008x128xf32, #tpu.memory_space<vmem_shared>> -> memref<632x128xf32, #tpu.memory_space<vmem_shared>>
        %dma_start3A_62 = arith.constant 0 : i32
        %dma_start3A_63 = tpu.memref_slice %arg2[%mul3A_2, %dma_start3A_62] : memref<10000x128xf32, #tpu.memory_space<hbm>> -> memref<632x128xf32, #tpu.memory_space<hbm>>
        tpu.enqueue_dma source(%dma_start3A_63 : memref<632x128xf32, #tpu.memory_space<hbm>>) target(%dma_start3A_61 : memref<632x128xf32, #tpu.memory_space<vmem_shared>>) target_semaphore(%run_scoped3A : memref<!tpu.dma_semaphore, #tpu.memory_space<semaphore_mem>>)
        %dma_wait3A = arith.constant 0 : i32
        %dma_wait3A_64 = tpu.memref_slice %arg10[%mul3A_2, %dma_wait3A] : memref<10008x128xf32, #tpu.memory_space<vmem_shared>> -> memref<632x128xf32, #tpu.memory_space<vmem_shared>>
        %dma_wait3A_65 = arith.constant 0 : i32
        %dma_wait3A_66 = tpu.memref_slice %arg2[%mul3A_2, %dma_wait3A_65] : memref<10000x128xf32, #tpu.memory_space<hbm>> -> memref<632x128xf32, #tpu.memory_space<hbm>>
        tpu.wait_dma2 semaphore(%run_scoped3A : memref<!tpu.dma_semaphore, #tpu.memory_space<semaphore_mem>>) src(%dma_wait3A_66 : memref<632x128xf32, #tpu.memory_space<hbm>>) dst(%dma_wait3A_64 : memref<632x128xf32, #tpu.memory_space<vmem_shared>>)
        tpu.yield
      }) : () -> ()
    } else {
    }
    %eq3A_8 = arith.constant 0 : i32
    %eq3A_9 = arith.cmpi eq, %arg0, %eq3A_8 : i32
    %and3A_10 = arith.andi %eq3A_9, %eq3A_3 : i1
    %convert_element_type3A_11 = arith.extui %and3A_10 : i1 to i32
    %cond3A_12 = arith.constant 0 : i32
    %cond3A_13 = arith.cmpi ne, %convert_element_type3A_11, %cond3A_12 : i32
    scf.if %cond3A_13 {
      "tpu.region"() ({
        %run_scoped3A = tpu.sem_alloc : memref<!tpu.dma_semaphore, #tpu.memory_space<semaphore_mem>>
        %dma_start3A_60 = arith.constant 0 : i32
        %dma_start3A_61 = tpu.memref_slice %arg10[%mul3A_2, %dma_start3A_60] : memref<10008x128xf32, #tpu.memory_space<vmem_shared>> -> memref<520x128xf32, #tpu.memory_space<vmem_shared>>
        %dma_start3A_62 = arith.constant 0 : i32
        %dma_start3A_63 = tpu.memref_slice %arg2[%mul3A_2, %dma_start3A_62] : memref<10000x128xf32, #tpu.memory_space<hbm>> -> memref<520x128xf32, #tpu.memory_space<hbm>>
        tpu.enqueue_dma source(%dma_start3A_63 : memref<520x128xf32, #tpu.memory_space<hbm>>) target(%dma_start3A_61 : memref<520x128xf32, #tpu.memory_space<vmem_shared>>) target_semaphore(%run_scoped3A : memref<!tpu.dma_semaphore, #tpu.memory_space<semaphore_mem>>)
        %dma_wait3A = arith.constant 0 : i32
        %dma_wait3A_64 = tpu.memref_slice %arg10[%mul3A_2, %dma_wait3A] : memref<10008x128xf32, #tpu.memory_space<vmem_shared>> -> memref<520x128xf32, #tpu.memory_space<vmem_shared>>
        %dma_wait3A_65 = arith.constant 0 : i32
        %dma_wait3A_66 = tpu.memref_slice %arg2[%mul3A_2, %dma_wait3A_65] : memref<10000x128xf32, #tpu.memory_space<hbm>> -> memref<520x128xf32, #tpu.memory_space<hbm>>
        tpu.wait_dma2 semaphore(%run_scoped3A : memref<!tpu.dma_semaphore, #tpu.memory_space<semaphore_mem>>) src(%dma_wait3A_66 : memref<520x128xf32, #tpu.memory_space<hbm>>) dst(%dma_wait3A_64 : memref<520x128xf32, #tpu.memory_space<vmem_shared>>)
        tpu.yield
      }) : () -> ()
    } else {
    }
    %ne3A = arith.constant 0 : i32
    %ne3A_14 = arith.cmpi ne, %arg0, %ne3A : i32
    %not3A_15 = arith.constant true
    %not3A_16 = arith.xori %eq3A_3, %not3A_15 : i1
    %and3A_17 = arith.andi %ne3A_14, %not3A_16 : i1
    %convert_element_type3A_18 = arith.extui %and3A_17 : i1 to i32
    %cond3A_19 = arith.constant 0 : i32
    %cond3A_20 = arith.cmpi ne, %convert_element_type3A_18, %cond3A_19 : i32
    scf.if %cond3A_20 {
      "tpu.region"() ({
        %run_scoped3A = tpu.sem_alloc : memref<!tpu.dma_semaphore, #tpu.memory_space<semaphore_mem>>
        %dma_start3A_60 = arith.constant 0 : i32
        %dma_start3A_61 = tpu.memref_slice %arg10[%mul3A_2, %dma_start3A_60] : memref<10008x128xf32, #tpu.memory_space<vmem_shared>> -> memref<632x128xf32, #tpu.memory_space<vmem_shared>>
        tpu.enqueue_dma source(%arg5 : memref<632x128xf32, #tpu.memory_space<hbm>>) target(%dma_start3A_61 : memref<632x128xf32, #tpu.memory_space<vmem_shared>>) target_semaphore(%run_scoped3A : memref<!tpu.dma_semaphore, #tpu.memory_space<semaphore_mem>>)
        %dma_wait3A = arith.constant 0 : i32
        %dma_wait3A_62 = tpu.memref_slice %arg10[%mul3A_2, %dma_wait3A] : memref<10008x128xf32, #tpu.memory_space<vmem_shared>> -> memref<632x128xf32, #tpu.memory_space<vmem_shared>>
        tpu.wait_dma2 semaphore(%run_scoped3A : memref<!tpu.dma_semaphore, #tpu.memory_space<semaphore_mem>>) src(%arg5 : memref<632x128xf32, #tpu.memory_space<hbm>>) dst(%dma_wait3A_62 : memref<632x128xf32, #tpu.memory_space<vmem_shared>>)
        tpu.yield
      }) : () -> ()
    } else {
    }
    %ne3A_21 = arith.constant 0 : i32
    %ne3A_22 = arith.cmpi ne, %arg0, %ne3A_21 : i32
    %and3A_23 = arith.andi %ne3A_22, %eq3A_3 : i1
    %convert_element_type3A_24 = arith.extui %and3A_23 : i1 to i32
    %cond3A_25 = arith.constant 0 : i32
    %cond3A_26 = arith.cmpi ne, %convert_element_type3A_24, %cond3A_25 : i32
    scf.if %cond3A_26 {
      "tpu.region"() ({
        %run_scoped3A = tpu.sem_alloc : memref<!tpu.dma_semaphore, #tpu.memory_space<semaphore_mem>>
        %dma_start3A_60 = arith.constant 0 : i32
        %dma_start3A_61 = tpu.memref_slice %arg10[%mul3A_2, %dma_start3A_60] : memref<10008x128xf32, #tpu.memory_space<vmem_shared>> -> memref<520x128xf32, #tpu.memory_space<vmem_shared>>
        %dma_start3A_62 = arith.constant 0 : i32
        %dma_start3A_63 = arith.constant 0 : i32
        %dma_start3A_64 = tpu.memref_slice %arg5[%dma_start3A_62, %dma_start3A_63] : memref<632x128xf32, #tpu.memory_space<hbm>> -> memref<520x128xf32, #tpu.memory_space<hbm>>
        tpu.enqueue_dma source(%dma_start3A_64 : memref<520x128xf32, #tpu.memory_space<hbm>>) target(%dma_start3A_61 : memref<520x128xf32, #tpu.memory_space<vmem_shared>>) target_semaphore(%run_scoped3A : memref<!tpu.dma_semaphore, #tpu.memory_space<semaphore_mem>>)
        %dma_wait3A = arith.constant 0 : i32
        %dma_wait3A_65 = tpu.memref_slice %arg10[%mul3A_2, %dma_wait3A] : memref<10008x128xf32, #tpu.memory_space<vmem_shared>> -> memref<520x128xf32, #tpu.memory_space<vmem_shared>>
        %dma_wait3A_66 = arith.constant 0 : i32
        %dma_wait3A_67 = arith.constant 0 : i32
        %dma_wait3A_68 = tpu.memref_slice %arg5[%dma_wait3A_66, %dma_wait3A_67] : memref<632x128xf32, #tpu.memory_space<hbm>> -> memref<520x128xf32, #tpu.memory_space<hbm>>
        tpu.wait_dma2 semaphore(%run_scoped3A : memref<!tpu.dma_semaphore, #tpu.memory_space<semaphore_mem>>) src(%dma_wait3A_68 : memref<520x128xf32, #tpu.memory_space<hbm>>) dst(%dma_wait3A_65 : memref<520x128xf32, #tpu.memory_space<vmem_shared>>)
        tpu.yield
      }) : () -> ()
    } else {
    }
    "tpu.region"() ({
      %run_scoped3A = tpu.sem_alloc : memref<!tpu.dma_semaphore, #tpu.memory_space<semaphore_mem>>
      %dma_start3A_60 = arith.constant 0 : i32
      %dma_start3A_61 = tpu.memref_slice %arg3[%add3A, %dma_start3A_60] : memref<32x10080xi32, #tpu.memory_space<hbm>> -> memref<1x10080xi32, #tpu.memory_space<hbm>>
      %dma_start3A_62 = tpu.memref_squeeze %dma_start3A_61 : memref<1x10080xi32, #tpu.memory_space<hbm>> -> memref<10080xi32, #tpu.memory_space<hbm>>
      %dma_start3A_63 = arith.constant 0 : i32
      %dma_start3A_64 = tpu.memref_slice %arg3[%add3A, %dma_start3A_63] : memref<32x10080xi32, #tpu.memory_space<hbm>> -> memref<1x10080xi32, #tpu.memory_space<hbm>>
      %dma_start3A_65 = tpu.memref_squeeze %dma_start3A_64 : memref<1x10080xi32, #tpu.memory_space<hbm>> -> memref<10080xi32, #tpu.memory_space<hbm>>
      tpu.enqueue_dma source(%dma_start3A_65 : memref<10080xi32, #tpu.memory_space<hbm>>) target(%arg7 : memref<10080xi32, #tpu.memory_space<vmem>>) target_semaphore(%run_scoped3A : memref<!tpu.dma_semaphore, #tpu.memory_space<semaphore_mem>>)
      %dma_wait3A = arith.constant 0 : i32
      %dma_wait3A_66 = tpu.memref_slice %arg3[%add3A, %dma_wait3A] : memref<32x10080xi32, #tpu.memory_space<hbm>> -> memref<1x10080xi32, #tpu.memory_space<hbm>>
      %dma_wait3A_67 = tpu.memref_squeeze %dma_wait3A_66 : memref<1x10080xi32, #tpu.memory_space<hbm>> -> memref<10080xi32, #tpu.memory_space<hbm>>
      %dma_wait3A_68 = arith.constant 0 : i32
      %dma_wait3A_69 = tpu.memref_slice %arg3[%add3A, %dma_wait3A_68] : memref<32x10080xi32, #tpu.memory_space<hbm>> -> memref<1x10080xi32, #tpu.memory_space<hbm>>
      %dma_wait3A_70 = tpu.memref_squeeze %dma_wait3A_69 : memref<1x10080xi32, #tpu.memory_space<hbm>> -> memref<10080xi32, #tpu.memory_space<hbm>>
      tpu.wait_dma2 semaphore(%run_scoped3A : memref<!tpu.dma_semaphore, #tpu.memory_space<semaphore_mem>>) src(%dma_wait3A_70 : memref<10080xi32, #tpu.memory_space<hbm>>) dst(%arg7 : memref<10080xi32, #tpu.memory_space<vmem>>)
      tpu.yield
    }) : () -> ()
    "tpu.region"() ({
      %run_scoped3A = tpu.sem_alloc : memref<!tpu.dma_semaphore, #tpu.memory_space<semaphore_mem>>
      %dma_start3A_60 = arith.constant 0 : i32
      %dma_start3A_61 = arith.constant 0 : i32
      %dma_start3A_62 = tpu.memref_slice %arg4[%add3A, %dma_start3A_60, %dma_start3A_61] : memref<32x126x80xi32, #tpu.memory_space<hbm>> -> memref<1x126x80xi32, #tpu.memory_space<hbm>>
      %dma_start3A_63 = tpu.memref_squeeze %dma_start3A_62 : memref<1x126x80xi32, #tpu.memory_space<hbm>> -> memref<126x80xi32, #tpu.memory_space<hbm>>
      %dma_start3A_64 = arith.constant 0 : i32
      %dma_start3A_65 = arith.constant 0 : i32
      %dma_start3A_66 = tpu.memref_slice %arg4[%add3A, %dma_start3A_64, %dma_start3A_65] : memref<32x126x80xi32, #tpu.memory_space<hbm>> -> memref<1x126x80xi32, #tpu.memory_space<hbm>>
      %dma_start3A_67 = tpu.memref_squeeze %dma_start3A_66 : memref<1x126x80xi32, #tpu.memory_space<hbm>> -> memref<126x80xi32, #tpu.memory_space<hbm>>
      tpu.enqueue_dma source(%dma_start3A_67 : memref<126x80xi32, #tpu.memory_space<hbm>>) target(%arg8 : memref<126x80xi32, #tpu.memory_space<vmem>>) target_semaphore(%run_scoped3A : memref<!tpu.dma_semaphore, #tpu.memory_space<semaphore_mem>>)
      %dma_wait3A = arith.constant 0 : i32
      %dma_wait3A_68 = arith.constant 0 : i32
      %dma_wait3A_69 = tpu.memref_slice %arg4[%add3A, %dma_wait3A, %dma_wait3A_68] : memref<32x126x80xi32, #tpu.memory_space<hbm>> -> memref<1x126x80xi32, #tpu.memory_space<hbm>>
      %dma_wait3A_70 = tpu.memref_squeeze %dma_wait3A_69 : memref<1x126x80xi32, #tpu.memory_space<hbm>> -> memref<126x80xi32, #tpu.memory_space<hbm>>
      %dma_wait3A_71 = arith.constant 0 : i32
      %dma_wait3A_72 = arith.constant 0 : i32
      %dma_wait3A_73 = tpu.memref_slice %arg4[%add3A, %dma_wait3A_71, %dma_wait3A_72] : memref<32x126x80xi32, #tpu.memory_space<hbm>> -> memref<1x126x80xi32, #tpu.memory_space<hbm>>
      %dma_wait3A_74 = tpu.memref_squeeze %dma_wait3A_73 : memref<1x126x80xi32, #tpu.memory_space<hbm>> -> memref<126x80xi32, #tpu.memory_space<hbm>>
      tpu.wait_dma2 semaphore(%run_scoped3A : memref<!tpu.dma_semaphore, #tpu.memory_space<semaphore_mem>>) src(%dma_wait3A_74 : memref<126x80xi32, #tpu.memory_space<hbm>>) dst(%arg8 : memref<126x80xi32, #tpu.memory_space<vmem>>)
      tpu.yield
    }) : () -> ()
    %dma_start3A = arith.constant 0 : i32
    %dma_start3A_27 = arith.constant 0 : i32
    %dma_start3A_28 = arith.constant 0 : i32
    %dma_start3A_29 = tpu.memref_slice %arg9[%dma_start3A, %dma_start3A_27, %dma_start3A_28] : memref<2x80x128xf32, #tpu.memory_space<vmem>> -> memref<1x80x128xf32, #tpu.memory_space<vmem>>
    %dma_start3A_30 = tpu.memref_squeeze %dma_start3A_29 : memref<1x80x128xf32, #tpu.memory_space<vmem>> -> memref<80x128xf32, #tpu.memory_space<vmem>>
    %dma_start3A_31 = arith.constant 0 : i32
    %dma_start3A_32 = tpu.memref_slice %arg7[%dma_start3A_31] : memref<10080xi32, #tpu.memory_space<vmem>> -> memref<80xi32, #tpu.memory_space<vmem>>
    %dma_start3A_33 = arith.constant 0 : i32
    %dma_start3A_34 = arith.constant 0 : i32
    %dma_start3A_35 = tpu.memref_slice %arg2[%dma_start3A_33, %dma_start3A_34] : memref<10000x128xf32, #tpu.memory_space<hbm>> -> memref<10000x128xf32, #tpu.memory_space<hbm>>
    tpu.enqueue_indirect_dma source(%dma_start3A_35 : memref<10000x128xf32, #tpu.memory_space<hbm>>) target(%dma_start3A_30 : memref<80x128xf32, #tpu.memory_space<vmem>>) offsets(%dma_start3A_32 : memref<80xi32, #tpu.memory_space<vmem>>) semaphore(%arg11 : memref<!tpu.dma_semaphore, #tpu.memory_space<semaphore_mem>>)
    %dma_start3A_36 = arith.constant 1 : i32
    %dma_start3A_37 = arith.constant 0 : i32
    %dma_start3A_38 = arith.constant 0 : i32
    %dma_start3A_39 = tpu.memref_slice %arg9[%dma_start3A_36, %dma_start3A_37, %dma_start3A_38] : memref<2x80x128xf32, #tpu.memory_space<vmem>> -> memref<1x80x128xf32, #tpu.memory_space<vmem>>
    %dma_start3A_40 = tpu.memref_squeeze %dma_start3A_39 : memref<1x80x128xf32, #tpu.memory_space<vmem>> -> memref<80x128xf32, #tpu.memory_space<vmem>>
    %dma_start3A_41 = arith.constant 80 : i32
    %dma_start3A_42 = tpu.memref_slice %arg7[%dma_start3A_41] : memref<10080xi32, #tpu.memory_space<vmem>> -> memref<80xi32, #tpu.memory_space<vmem>>
    %dma_start3A_43 = arith.constant 0 : i32
    %dma_start3A_44 = arith.constant 0 : i32
    %dma_start3A_45 = tpu.memref_slice %arg2[%dma_start3A_43, %dma_start3A_44] : memref<10000x128xf32, #tpu.memory_space<hbm>> -> memref<10000x128xf32, #tpu.memory_space<hbm>>
    tpu.enqueue_indirect_dma source(%dma_start3A_45 : memref<10000x128xf32, #tpu.memory_space<hbm>>) target(%dma_start3A_40 : memref<80x128xf32, #tpu.memory_space<vmem>>) offsets(%dma_start3A_42 : memref<80xi32, #tpu.memory_space<vmem>>) semaphore(%arg12 : memref<!tpu.dma_semaphore, #tpu.memory_space<semaphore_mem>>)
    %barrier3A = arith.constant 0 : index
    tpu.barrier barrier_id(%barrier3A)
    %scan3A = arith.constant 0 : i32
    %scan3A_46 = arith.constant 0 : i32
    %scan3A_47 = arith.constant 63 : i32
    %scan3A_48 = arith.addi %scan3A_46, %scan3A_47 : i32
    %scan3A_49 = arith.constant 1 : i32
    scf.for %scan3A_60 = %scan3A_46 to %scan3A_48 step %scan3A_49  : i32 {
      %mul3A_61 = arith.constant 2 : i32
      %mul3A_62 = arith.muli %scan3A_60, %mul3A_61 : i32
      %add3A_63 = arith.constant 0 : i32
      %add3A_64 = arith.addi %mul3A_62, %add3A_63 : i32
      %mul3A_65 = arith.constant 80 : i32
      %mul3A_66 = arith.muli %add3A_64, %mul3A_65 : i32
      %dma_wait3A = arith.constant 0 : i32
      %dma_wait3A_67 = arith.constant 0 : i32
      %dma_wait3A_68 = arith.constant 0 : i32
      %dma_wait3A_69 = tpu.memref_slice %arg9[%dma_wait3A, %dma_wait3A_67, %dma_wait3A_68] : memref<2x80x128xf32, #tpu.memory_space<vmem>> -> memref<1x80x128xf32, #tpu.memory_space<vmem>>
      %dma_wait3A_70 = tpu.memref_squeeze %dma_wait3A_69 : memref<1x80x128xf32, #tpu.memory_space<vmem>> -> memref<80x128xf32, #tpu.memory_space<vmem>>
      %dma_wait3A_71 = tpu.memref_slice %arg7[%mul3A_66] : memref<10080xi32, #tpu.memory_space<vmem>> -> memref<80xi32, #tpu.memory_space<vmem>>
      %dma_wait3A_72 = arith.constant 0 : i32
      %dma_wait3A_73 = arith.constant 0 : i32
      %dma_wait3A_74 = tpu.memref_slice %arg2[%dma_wait3A_72, %dma_wait3A_73] : memref<10000x128xf32, #tpu.memory_space<hbm>> -> memref<10000x128xf32, #tpu.memory_space<hbm>>
      tpu.wait_indirect_dma semaphore(%arg11 : memref<!tpu.dma_semaphore, #tpu.memory_space<semaphore_mem>>) src(%dma_wait3A_74 : memref<10000x128xf32, #tpu.memory_space<hbm>>) dst(%dma_wait3A_70 : memref<80x128xf32, #tpu.memory_space<vmem>>)
      %run_scoped3A = arith.constant 0 : i32
      "tpu.region"() ({
        %run_scoped3A_104 = tpu.sem_alloc : memref<!tpu.dma_semaphore, #tpu.memory_space<semaphore_mem>>
        %dma_start3A_105 = arith.constant 0 : i32
        %dma_start3A_106 = arith.constant 0 : i32
        %dma_start3A_107 = tpu.memref_slice %arg9[%run_scoped3A, %dma_start3A_105, %dma_start3A_106] : memref<2x80x128xf32, #tpu.memory_space<vmem>> -> memref<1x80x128xf32, #tpu.memory_space<vmem>>
        %dma_start3A_108 = tpu.memref_squeeze %dma_start3A_107 : memref<1x80x128xf32, #tpu.memory_space<vmem>> -> memref<80x128xf32, #tpu.memory_space<vmem>>
        %dma_start3A_109 = arith.constant 0 : i32
        %dma_start3A_110 = tpu.memref_slice %arg8[%add3A_64, %dma_start3A_109] : memref<126x80xi32, #tpu.memory_space<vmem>> -> memref<1x80xi32, #tpu.memory_space<vmem>>
        %dma_start3A_111 = tpu.memref_squeeze %dma_start3A_110 : memref<1x80xi32, #tpu.memory_space<vmem>> -> memref<80xi32, #tpu.memory_space<vmem>>
        %dma_start3A_112 = arith.constant 0 : i32
        %dma_start3A_113 = arith.constant 0 : i32
        %dma_start3A_114 = tpu.memref_slice %arg10[%dma_start3A_112, %dma_start3A_113] : memref<10008x128xf32, #tpu.memory_space<vmem_shared>> -> memref<10008x128xf32, #tpu.memory_space<vmem_shared>>
        tpu.enqueue_indirect_dma source(%dma_start3A_108 : memref<80x128xf32, #tpu.memory_space<vmem>>) target(%dma_start3A_114 : memref<10008x128xf32, #tpu.memory_space<vmem_shared>>) offsets(%dma_start3A_111 : memref<80xi32, #tpu.memory_space<vmem>>) semaphore(%run_scoped3A_104 : memref<!tpu.dma_semaphore, #tpu.memory_space<semaphore_mem>>) {add = true}
        %dma_wait3A_115 = arith.constant 0 : i32
        %dma_wait3A_116 = arith.constant 0 : i32
        %dma_wait3A_117 = tpu.memref_slice %arg9[%run_scoped3A, %dma_wait3A_115, %dma_wait3A_116] : memref<2x80x128xf32, #tpu.memory_space<vmem>> -> memref<1x80x128xf32, #tpu.memory_space<vmem>>
        %dma_wait3A_118 = tpu.memref_squeeze %dma_wait3A_117 : memref<1x80x128xf32, #tpu.memory_space<vmem>> -> memref<80x128xf32, #tpu.memory_space<vmem>>
        %dma_wait3A_119 = arith.constant 0 : i32
        %dma_wait3A_120 = tpu.memref_slice %arg8[%add3A_64, %dma_wait3A_119] : memref<126x80xi32, #tpu.memory_space<vmem>> -> memref<1x80xi32, #tpu.memory_space<vmem>>
        %dma_wait3A_121 = tpu.memref_squeeze %dma_wait3A_120 : memref<1x80xi32, #tpu.memory_space<vmem>> -> memref<80xi32, #tpu.memory_space<vmem>>
        %dma_wait3A_122 = arith.constant 0 : i32
        %dma_wait3A_123 = arith.constant 0 : i32
        %dma_wait3A_124 = tpu.memref_slice %arg10[%dma_wait3A_122, %dma_wait3A_123] : memref<10008x128xf32, #tpu.memory_space<vmem_shared>> -> memref<10008x128xf32, #tpu.memory_space<vmem_shared>>
        tpu.wait_indirect_dma semaphore(%run_scoped3A_104 : memref<!tpu.dma_semaphore, #tpu.memory_space<semaphore_mem>>) src(%dma_wait3A_118 : memref<80x128xf32, #tpu.memory_space<vmem>>) dst(%dma_wait3A_124 : memref<10008x128xf32, #tpu.memory_space<vmem_shared>>)
        tpu.yield
      }) : () -> ()
      %add3A_75 = arith.constant 2 : i32
      %add3A_76 = arith.addi %add3A_64, %add3A_75 : i32
      %lt3A = arith.constant 126 : i32
      %lt3A_77 = arith.cmpi slt, %add3A_76, %lt3A : i32
      %convert_element_type3A_78 = arith.extui %lt3A_77 : i1 to i32
      %cond3A_79 = arith.constant 0 : i32
      %cond3A_80 = arith.cmpi ne, %convert_element_type3A_78, %cond3A_79 : i32
      scf.if %cond3A_80 {
        %add3A_104 = arith.constant 2 : i32
        %add3A_105 = arith.addi %add3A_64, %add3A_104 : i32
        %mul3A_106 = arith.constant 80 : i32
        %mul3A_107 = arith.muli %add3A_105, %mul3A_106 : i32
        %dma_start3A_108 = arith.constant 0 : i32
        %dma_start3A_109 = arith.constant 0 : i32
        %dma_start3A_110 = arith.constant 0 : i32
        %dma_start3A_111 = tpu.memref_slice %arg9[%dma_start3A_108, %dma_start3A_109, %dma_start3A_110] : memref<2x80x128xf32, #tpu.memory_space<vmem>> -> memref<1x80x128xf32, #tpu.memory_space<vmem>>
        %dma_start3A_112 = tpu.memref_squeeze %dma_start3A_111 : memref<1x80x128xf32, #tpu.memory_space<vmem>> -> memref<80x128xf32, #tpu.memory_space<vmem>>
        %dma_start3A_113 = tpu.memref_slice %arg7[%mul3A_107] : memref<10080xi32, #tpu.memory_space<vmem>> -> memref<80xi32, #tpu.memory_space<vmem>>
        %dma_start3A_114 = arith.constant 0 : i32
        %dma_start3A_115 = arith.constant 0 : i32
        %dma_start3A_116 = tpu.memref_slice %arg2[%dma_start3A_114, %dma_start3A_115] : memref<10000x128xf32, #tpu.memory_space<hbm>> -> memref<10000x128xf32, #tpu.memory_space<hbm>>
        tpu.enqueue_indirect_dma source(%dma_start3A_116 : memref<10000x128xf32, #tpu.memory_space<hbm>>) target(%dma_start3A_112 : memref<80x128xf32, #tpu.memory_space<vmem>>) offsets(%dma_start3A_113 : memref<80xi32, #tpu.memory_space<vmem>>) semaphore(%arg11 : memref<!tpu.dma_semaphore, #tpu.memory_space<semaphore_mem>>)
      } else {
      }
      %mul3A_81 = arith.constant 2 : i32
      %mul3A_82 = arith.muli %scan3A_60, %mul3A_81 : i32
      %add3A_83 = arith.constant 1 : i32
      %add3A_84 = arith.addi %mul3A_82, %add3A_83 : i32
      %mul3A_85 = arith.constant 80 : i32
      %mul3A_86 = arith.muli %add3A_84, %mul3A_85 : i32
      %dma_wait3A_87 = arith.constant 1 : i32
      %dma_wait3A_88 = arith.constant 0 : i32
      %dma_wait3A_89 = arith.constant 0 : i32
      %dma_wait3A_90 = tpu.memref_slice %arg9[%dma_wait3A_87, %dma_wait3A_88, %dma_wait3A_89] : memref<2x80x128xf32, #tpu.memory_space<vmem>> -> memref<1x80x128xf32, #tpu.memory_space<vmem>>
      %dma_wait3A_91 = tpu.memref_squeeze %dma_wait3A_90 : memref<1x80x128xf32, #tpu.memory_space<vmem>> -> memref<80x128xf32, #tpu.memory_space<vmem>>
      %dma_wait3A_92 = tpu.memref_slice %arg7[%mul3A_86] : memref<10080xi32, #tpu.memory_space<vmem>> -> memref<80xi32, #tpu.memory_space<vmem>>
      %dma_wait3A_93 = arith.constant 0 : i32
      %dma_wait3A_94 = arith.constant 0 : i32
      %dma_wait3A_95 = tpu.memref_slice %arg2[%dma_wait3A_93, %dma_wait3A_94] : memref<10000x128xf32, #tpu.memory_space<hbm>> -> memref<10000x128xf32, #tpu.memory_space<hbm>>
      tpu.wait_indirect_dma semaphore(%arg12 : memref<!tpu.dma_semaphore, #tpu.memory_space<semaphore_mem>>) src(%dma_wait3A_95 : memref<10000x128xf32, #tpu.memory_space<hbm>>) dst(%dma_wait3A_91 : memref<80x128xf32, #tpu.memory_space<vmem>>)
      %run_scoped3A_96 = arith.constant 1 : i32
      "tpu.region"() ({
        %run_scoped3A_104 = tpu.sem_alloc : memref<!tpu.dma_semaphore, #tpu.memory_space<semaphore_mem>>
        %dma_start3A_105 = arith.constant 0 : i32
        %dma_start3A_106 = arith.constant 0 : i32
        %dma_start3A_107 = tpu.memref_slice %arg9[%run_scoped3A_96, %dma_start3A_105, %dma_start3A_106] : memref<2x80x128xf32, #tpu.memory_space<vmem>> -> memref<1x80x128xf32, #tpu.memory_space<vmem>>
        %dma_start3A_108 = tpu.memref_squeeze %dma_start3A_107 : memref<1x80x128xf32, #tpu.memory_space<vmem>> -> memref<80x128xf32, #tpu.memory_space<vmem>>
        %dma_start3A_109 = arith.constant 0 : i32
        %dma_start3A_110 = tpu.memref_slice %arg8[%add3A_84, %dma_start3A_109] : memref<126x80xi32, #tpu.memory_space<vmem>> -> memref<1x80xi32, #tpu.memory_space<vmem>>
        %dma_start3A_111 = tpu.memref_squeeze %dma_start3A_110 : memref<1x80xi32, #tpu.memory_space<vmem>> -> memref<80xi32, #tpu.memory_space<vmem>>
        %dma_start3A_112 = arith.constant 0 : i32
        %dma_start3A_113 = arith.constant 0 : i32
        %dma_start3A_114 = tpu.memref_slice %arg10[%dma_start3A_112, %dma_start3A_113] : memref<10008x128xf32, #tpu.memory_space<vmem_shared>> -> memref<10008x128xf32, #tpu.memory_space<vmem_shared>>
        tpu.enqueue_indirect_dma source(%dma_start3A_108 : memref<80x128xf32, #tpu.memory_space<vmem>>) target(%dma_start3A_114 : memref<10008x128xf32, #tpu.memory_space<vmem_shared>>) offsets(%dma_start3A_111 : memref<80xi32, #tpu.memory_space<vmem>>) semaphore(%run_scoped3A_104 : memref<!tpu.dma_semaphore, #tpu.memory_space<semaphore_mem>>) {add = true}
        %dma_wait3A_115 = arith.constant 0 : i32
        %dma_wait3A_116 = arith.constant 0 : i32
        %dma_wait3A_117 = tpu.memref_slice %arg9[%run_scoped3A_96, %dma_wait3A_115, %dma_wait3A_116] : memref<2x80x128xf32, #tpu.memory_space<vmem>> -> memref<1x80x128xf32, #tpu.memory_space<vmem>>
        %dma_wait3A_118 = tpu.memref_squeeze %dma_wait3A_117 : memref<1x80x128xf32, #tpu.memory_space<vmem>> -> memref<80x128xf32, #tpu.memory_space<vmem>>
        %dma_wait3A_119 = arith.constant 0 : i32
        %dma_wait3A_120 = tpu.memref_slice %arg8[%add3A_84, %dma_wait3A_119] : memref<126x80xi32, #tpu.memory_space<vmem>> -> memref<1x80xi32, #tpu.memory_space<vmem>>
        %dma_wait3A_121 = tpu.memref_squeeze %dma_wait3A_120 : memref<1x80xi32, #tpu.memory_space<vmem>> -> memref<80xi32, #tpu.memory_space<vmem>>
        %dma_wait3A_122 = arith.constant 0 : i32
        %dma_wait3A_123 = arith.constant 0 : i32
        %dma_wait3A_124 = tpu.memref_slice %arg10[%dma_wait3A_122, %dma_wait3A_123] : memref<10008x128xf32, #tpu.memory_space<vmem_shared>> -> memref<10008x128xf32, #tpu.memory_space<vmem_shared>>
        tpu.wait_indirect_dma semaphore(%run_scoped3A_104 : memref<!tpu.dma_semaphore, #tpu.memory_space<semaphore_mem>>) src(%dma_wait3A_118 : memref<80x128xf32, #tpu.memory_space<vmem>>) dst(%dma_wait3A_124 : memref<10008x128xf32, #tpu.memory_space<vmem_shared>>)
        tpu.yield
      }) : () -> ()
      %add3A_97 = arith.constant 2 : i32
      %add3A_98 = arith.addi %add3A_84, %add3A_97 : i32
      %lt3A_99 = arith.constant 126 : i32
      %lt3A_100 = arith.cmpi slt, %add3A_98, %lt3A_99 : i32
      %convert_element_type3A_101 = arith.extui %lt3A_100 : i1 to i32
      %cond3A_102 = arith.constant 0 : i32
      %cond3A_103 = arith.cmpi ne, %convert_element_type3A_101, %cond3A_102 : i32
      scf.if %cond3A_103 {
        %add3A_104 = arith.constant 2 : i32
        %add3A_105 = arith.addi %add3A_84, %add3A_104 : i32
        %mul3A_106 = arith.constant 80 : i32
        %mul3A_107 = arith.muli %add3A_105, %mul3A_106 : i32
        %dma_start3A_108 = arith.constant 1 : i32
        %dma_start3A_109 = arith.constant 0 : i32
        %dma_start3A_110 = arith.constant 0 : i32
        %dma_start3A_111 = tpu.memref_slice %arg9[%dma_start3A_108, %dma_start3A_109, %dma_start3A_110] : memref<2x80x128xf32, #tpu.memory_space<vmem>> -> memref<1x80x128xf32, #tpu.memory_space<vmem>>
        %dma_start3A_112 = tpu.memref_squeeze %dma_start3A_111 : memref<1x80x128xf32, #tpu.memory_space<vmem>> -> memref<80x128xf32, #tpu.memory_space<vmem>>
        %dma_start3A_113 = tpu.memref_slice %arg7[%mul3A_107] : memref<10080xi32, #tpu.memory_space<vmem>> -> memref<80xi32, #tpu.memory_space<vmem>>
        %dma_start3A_114 = arith.constant 0 : i32
        %dma_start3A_115 = arith.constant 0 : i32
        %dma_start3A_116 = tpu.memref_slice %arg2[%dma_start3A_114, %dma_start3A_115] : memref<10000x128xf32, #tpu.memory_space<hbm>> -> memref<10000x128xf32, #tpu.memory_space<hbm>>
        tpu.enqueue_indirect_dma source(%dma_start3A_116 : memref<10000x128xf32, #tpu.memory_space<hbm>>) target(%dma_start3A_112 : memref<80x128xf32, #tpu.memory_space<vmem>>) offsets(%dma_start3A_113 : memref<80xi32, #tpu.memory_space<vmem>>) semaphore(%arg12 : memref<!tpu.dma_semaphore, #tpu.memory_space<semaphore_mem>>)
      } else {
      }
    }
    %scan3A_50 = arith.constant 63 : i32
    %barrier3A_51 = arith.constant 0 : index
    tpu.barrier barrier_id(%barrier3A_51)
    %not3A_52 = arith.constant true
    %not3A_53 = arith.xori %eq3A_3, %not3A_52 : i1
    %convert_element_type3A_54 = arith.extui %not3A_53 : i1 to i32
    %cond3A_55 = arith.constant 0 : i32
    %cond3A_56 = arith.cmpi ne, %convert_element_type3A_54, %cond3A_55 : i32
    scf.if %cond3A_56 {
      "tpu.region"() ({
        %run_scoped3A = tpu.sem_alloc : memref<!tpu.dma_semaphore, #tpu.memory_space<semaphore_mem>>
        %dma_start3A_60 = arith.constant 0 : i32
        %dma_start3A_61 = arith.constant 0 : i32
        %dma_start3A_62 = tpu.memref_slice %arg6[%arg0, %dma_start3A_60, %dma_start3A_61] : memref<2x10000x128xf32, #tpu.memory_space<hbm>> -> memref<1x10000x128xf32, #tpu.memory_space<hbm>>
        %dma_start3A_63 = tpu.memref_squeeze %dma_start3A_62 : memref<1x10000x128xf32, #tpu.memory_space<hbm>> -> memref<10000x128xf32, #tpu.memory_space<hbm>>
        %dma_start3A_64 = arith.constant 0 : i32
        %dma_start3A_65 = tpu.memref_slice %dma_start3A_63[%mul3A_2, %dma_start3A_64] : memref<10000x128xf32, #tpu.memory_space<hbm>> -> memref<632x128xf32, #tpu.memory_space<hbm>>
        %dma_start3A_66 = arith.constant 0 : i32
        %dma_start3A_67 = tpu.memref_slice %arg10[%mul3A_2, %dma_start3A_66] : memref<10008x128xf32, #tpu.memory_space<vmem_shared>> -> memref<632x128xf32, #tpu.memory_space<vmem_shared>>
        tpu.enqueue_dma source(%dma_start3A_67 : memref<632x128xf32, #tpu.memory_space<vmem_shared>>) target(%dma_start3A_65 : memref<632x128xf32, #tpu.memory_space<hbm>>) target_semaphore(%run_scoped3A : memref<!tpu.dma_semaphore, #tpu.memory_space<semaphore_mem>>)
        %dma_wait3A = arith.constant 0 : i32
        %dma_wait3A_68 = arith.constant 0 : i32
        %dma_wait3A_69 = tpu.memref_slice %arg6[%arg0, %dma_wait3A, %dma_wait3A_68] : memref<2x10000x128xf32, #tpu.memory_space<hbm>> -> memref<1x10000x128xf32, #tpu.memory_space<hbm>>
        %dma_wait3A_70 = tpu.memref_squeeze %dma_wait3A_69 : memref<1x10000x128xf32, #tpu.memory_space<hbm>> -> memref<10000x128xf32, #tpu.memory_space<hbm>>
        %dma_wait3A_71 = arith.constant 0 : i32
        %dma_wait3A_72 = tpu.memref_slice %dma_wait3A_70[%mul3A_2, %dma_wait3A_71] : memref<10000x128xf32, #tpu.memory_space<hbm>> -> memref<632x128xf32, #tpu.memory_space<hbm>>
        %dma_wait3A_73 = arith.constant 0 : i32
        %dma_wait3A_74 = tpu.memref_slice %arg10[%mul3A_2, %dma_wait3A_73] : memref<10008x128xf32, #tpu.memory_space<vmem_shared>> -> memref<632x128xf32, #tpu.memory_space<vmem_shared>>
        tpu.wait_dma2 semaphore(%run_scoped3A : memref<!tpu.dma_semaphore, #tpu.memory_space<semaphore_mem>>) src(%dma_wait3A_74 : memref<632x128xf32, #tpu.memory_space<vmem_shared>>) dst(%dma_wait3A_72 : memref<632x128xf32, #tpu.memory_space<hbm>>)
        tpu.yield
      }) : () -> ()
    } else {
    }
    %convert_element_type3A_57 = arith.extui %eq3A_3 : i1 to i32
    %cond3A_58 = arith.constant 0 : i32
    %cond3A_59 = arith.cmpi ne, %convert_element_type3A_57, %cond3A_58 : i32
    scf.if %cond3A_59 {
      "tpu.region"() ({
        %run_scoped3A = tpu.sem_alloc : memref<!tpu.dma_semaphore, #tpu.memory_space<semaphore_mem>>
        %dma_start3A_60 = arith.constant 0 : i32
        %dma_start3A_61 = arith.constant 0 : i32
        %dma_start3A_62 = tpu.memref_slice %arg6[%arg0, %dma_start3A_60, %dma_start3A_61] : memref<2x10000x128xf32, #tpu.memory_space<hbm>> -> memref<1x10000x128xf32, #tpu.memory_space<hbm>>
        %dma_start3A_63 = tpu.memref_squeeze %dma_start3A_62 : memref<1x10000x128xf32, #tpu.memory_space<hbm>> -> memref<10000x128xf32, #tpu.memory_space<hbm>>
        %dma_start3A_64 = arith.constant 0 : i32
        %dma_start3A_65 = tpu.memref_slice %dma_start3A_63[%mul3A_2, %dma_start3A_64] : memref<10000x128xf32, #tpu.memory_space<hbm>> -> memref<520x128xf32, #tpu.memory_space<hbm>>
        %dma_start3A_66 = arith.constant 0 : i32
        %dma_start3A_67 = tpu.memref_slice %arg10[%mul3A_2, %dma_start3A_66] : memref<10008x128xf32, #tpu.memory_space<vmem_shared>> -> memref<520x128xf32, #tpu.memory_space<vmem_shared>>
        tpu.enqueue_dma source(%dma_start3A_67 : memref<520x128xf32, #tpu.memory_space<vmem_shared>>) target(%dma_start3A_65 : memref<520x128xf32, #tpu.memory_space<hbm>>) target_semaphore(%run_scoped3A : memref<!tpu.dma_semaphore, #tpu.memory_space<semaphore_mem>>)
        %dma_wait3A = arith.constant 0 : i32
        %dma_wait3A_68 = arith.constant 0 : i32
        %dma_wait3A_69 = tpu.memref_slice %arg6[%arg0, %dma_wait3A, %dma_wait3A_68] : memref<2x10000x128xf32, #tpu.memory_space<hbm>> -> memref<1x10000x128xf32, #tpu.memory_space<hbm>>
        %dma_wait3A_70 = tpu.memref_squeeze %dma_wait3A_69 : memref<1x10000x128xf32, #tpu.memory_space<hbm>> -> memref<10000x128xf32, #tpu.memory_space<hbm>>
        %dma_wait3A_71 = arith.constant 0 : i32
        %dma_wait3A_72 = tpu.memref_slice %dma_wait3A_70[%mul3A_2, %dma_wait3A_71] : memref<10000x128xf32, #tpu.memory_space<hbm>> -> memref<520x128xf32, #tpu.memory_space<hbm>>
        %dma_wait3A_73 = arith.constant 0 : i32
        %dma_wait3A_74 = tpu.memref_slice %arg10[%mul3A_2, %dma_wait3A_73] : memref<10008x128xf32, #tpu.memory_space<vmem_shared>> -> memref<520x128xf32, #tpu.memory_space<vmem_shared>>
        tpu.wait_dma2 semaphore(%run_scoped3A : memref<!tpu.dma_semaphore, #tpu.memory_space<semaphore_mem>>) src(%dma_wait3A_74 : memref<520x128xf32, #tpu.memory_space<vmem_shared>>) dst(%dma_wait3A_72 : memref<520x128xf32, #tpu.memory_space<hbm>>)
        tpu.yield
      }) : () -> ()
    } else {
    }
    return
  }
}

module attributes {stable_mosaic.version = 14 : i64} {
  func.func @_mlp_body(%arg0: i32, %arg1: memref<1000x128xf32, #tpu.memory_space<vmem>>, %arg2: memref<1000x128xf32, #tpu.memory_space<vmem>>, %arg3: memref<128x128xf32, #tpu.memory_space<vmem>>, %arg4: memref<128xf32, #tpu.memory_space<vmem>>, %arg5: memref<128x128xf32, #tpu.memory_space<vmem>>, %arg6: memref<128xf32, #tpu.memory_space<vmem>>, %arg7: memref<1000x128xf32, #tpu.memory_space<vmem>>, %arg8: memref<1x128xf32, #tpu.memory_space<vmem>>) attributes {dimension_semantics = [#tpu.dimension_semantics<arbitrary>], iteration_bounds = array<i64: 10>, scalar_prefetch = 0 : i64, scratch_operands = 0 : i64, tpu.core_type = #tpu.core_type<tc>, window_params = [{transform_indices = @transform_0, window_bounds = array<i64: 1000, 128>}, {transform_indices = @transform_1, window_bounds = array<i64: 1000, 128>}, {pipeline_mode = #tpu.pipeline_mode<synchronous>, transform_indices = @transform_2, window_bounds = array<i64: 128, 128>}, {pipeline_mode = #tpu.pipeline_mode<synchronous>, transform_indices = @transform_3, window_bounds = array<i64: 128>}, {pipeline_mode = #tpu.pipeline_mode<synchronous>, transform_indices = @transform_4, window_bounds = array<i64: 128, 128>}, {pipeline_mode = #tpu.pipeline_mode<synchronous>, transform_indices = @transform_5, window_bounds = array<i64: 128>}, {transform_indices = @transform_6, window_bounds = array<i64: 1000, 128>}, {pipeline_mode = #tpu.pipeline_mode<synchronous>, transform_indices = @transform_7, window_bounds = array<i64: 1, 128>}]} {
    %get3A = arith.constant 0 : index
    %get3A_0 = arith.constant 0 : index
    %get3A_1 = vector.load %arg1[%get3A, %get3A_0] : memref<1000x128xf32, #tpu.memory_space<vmem>>, vector<1000x128xf32>
    %get3A_2 = arith.constant 0 : index
    %get3A_3 = arith.constant 0 : index
    %get3A_4 = vector.load %arg2[%get3A_2, %get3A_3] : memref<1000x128xf32, #tpu.memory_space<vmem>>, vector<1000x128xf32>
    %add3A = arith.addf %get3A_1, %get3A_4 : vector<1000x128xf32>
    %get3A_5 = arith.constant 0 : index
    %get3A_6 = arith.constant 0 : index
    %get3A_7 = vector.load %arg3[%get3A_5, %get3A_6] : memref<128x128xf32, #tpu.memory_space<vmem>>, vector<128x128xf32>
    %dot_general3A = arith.constant dense<0.000000e+00> : vector<1000x128xf32>
    %dot_general3A_8 = tpu.matmul %add3A, %get3A_7, %dot_general3A {dimension_numbers = #tpu.dot_dimension_numbers<[1], [0], [0], [1], [0, 0, 1, 1], [], []>, transpose_lhs_hint = false} : vector<1000x128xf32>, vector<128x128xf32>, vector<1000x128xf32> -> vector<1000x128xf32>
    %get3A_9 = arith.constant 0 : index
    %get3A_10 = vector.load %arg4[%get3A_9] : memref<128xf32, #tpu.memory_space<vmem>>, vector<128xf32>
    %broadcast_in_dim3A = vector.shape_cast %get3A_10 : vector<128xf32> to vector<1x128xf32>
    %add3A_11 = vector.broadcast %broadcast_in_dim3A : vector<1x128xf32> to vector<1000x128xf32>
    %add3A_12 = arith.addf %dot_general3A_8, %add3A_11 : vector<1000x128xf32>
    %max3A = arith.constant 0.000000e+00 : f32
    %max3A_13 = vector.broadcast %max3A : f32 to vector<1000x128xf32>
    %max3A_14 = arith.maximumf %add3A_12, %max3A_13 : vector<1000x128xf32>
    %get3A_15 = arith.constant 0 : index
    %get3A_16 = arith.constant 0 : index
    %get3A_17 = vector.load %arg5[%get3A_15, %get3A_16] : memref<128x128xf32, #tpu.memory_space<vmem>>, vector<128x128xf32>
    %dot_general3A_18 = arith.constant dense<0.000000e+00> : vector<1000x128xf32>
    %dot_general3A_19 = tpu.matmul %max3A_14, %get3A_17, %dot_general3A_18 {dimension_numbers = #tpu.dot_dimension_numbers<[1], [0], [0], [1], [0, 0, 1, 1], [], []>, transpose_lhs_hint = false} : vector<1000x128xf32>, vector<128x128xf32>, vector<1000x128xf32> -> vector<1000x128xf32>
    %get3A_20 = arith.constant 0 : index
    %get3A_21 = vector.load %arg6[%get3A_20] : memref<128xf32, #tpu.memory_space<vmem>>, vector<128xf32>
    %broadcast_in_dim3A_22 = vector.shape_cast %get3A_21 : vector<128xf32> to vector<1x128xf32>
    %add3A_23 = vector.broadcast %broadcast_in_dim3A_22 : vector<1x128xf32> to vector<1000x128xf32>
    %add3A_24 = arith.addf %dot_general3A_19, %add3A_23 : vector<1000x128xf32>
    %swap3A = arith.constant 0 : index
    %swap3A_25 = arith.constant 0 : index
    %swap3A_26 = vector.load %arg7[%swap3A, %swap3A_25] : memref<1000x128xf32, #tpu.memory_space<vmem>>, vector<1000x128xf32>
    tpu.vector_store %arg7[%swap3A, %swap3A_25], %add3A_24 {strides = array<i32>} : memref<1000x128xf32, #tpu.memory_space<vmem>>, vector<1000x128xf32>,
    %eq3A = arith.constant 0 : i32
    %eq3A_27 = arith.cmpi eq, %arg0, %eq3A : i32
    %convert_element_type3A = arith.extui %eq3A_27 : i1 to i32
    %cond3A = arith.constant 0 : i32
    %cond3A_28 = arith.cmpi ne, %convert_element_type3A, %cond3A : i32
    scf.if %cond3A_28 {
      %broadcast_in_dim3A_38 = arith.constant 0.000000e+00 : f32
      %broadcast_in_dim3A_39 = vector.broadcast %broadcast_in_dim3A_38 : f32 to vector<1x128xf32>
      %swap3A_40 = arith.constant 0 : index
      %swap3A_41 = arith.constant 0 : index
      %swap3A_42 = vector.load %arg8[%swap3A_40, %swap3A_41] : memref<1x128xf32, #tpu.memory_space<vmem>>, vector<1x128xf32>
      tpu.vector_store %arg8[%swap3A_40, %swap3A_41], %broadcast_in_dim3A_39 {strides = array<i32>} : memref<1x128xf32, #tpu.memory_space<vmem>>, vector<1x128xf32>,
    } else {
    }
    %get3A_29 = arith.constant 0 : index
    %get3A_30 = arith.constant 0 : index
    %get3A_31 = vector.load %arg8[%get3A_29, %get3A_30] : memref<1x128xf32, #tpu.memory_space<vmem>>, vector<1x128xf32>
    %reduce_sum3A = arith.constant dense<0.000000e+00> : vector<128xf32>
    %reduce_sum3A_32 = vector.multi_reduction <add>, %add3A_24, %reduce_sum3A [0] : vector<1000x128xf32> to vector<128xf32>
    %broadcast_in_dim3A_33 = vector.shape_cast %reduce_sum3A_32 : vector<128xf32> to vector<1x128xf32>
    %add3A_34 = arith.addf %get3A_31, %broadcast_in_dim3A_33 : vector<1x128xf32>
    %swap3A_35 = arith.constant 0 : index
    %swap3A_36 = arith.constant 0 : index
    %swap3A_37 = vector.load %arg8[%swap3A_35, %swap3A_36] : memref<1x128xf32, #tpu.memory_space<vmem>>, vector<1x128xf32>
    tpu.vector_store %arg8[%swap3A_35, %swap3A_36], %add3A_34 {strides = array<i32>} : memref<1x128xf32, #tpu.memory_space<vmem>>, vector<1x128xf32>,
    return
  }
  func.func @transform_0(%arg0: i32) -> (i32, i32) {
    %c0_i32 = arith.constant 0 : i32
    %c0_i32_0 = arith.constant 0 : i32
    return %arg0, %c0_i32 : i32, i32
  }
  func.func @transform_1(%arg0: i32) -> (i32, i32) {
    %c0_i32 = arith.constant 0 : i32
    %c0_i32_0 = arith.constant 0 : i32
    return %arg0, %c0_i32 : i32, i32
  }
  func.func @transform_2(%arg0: i32) -> (i32, i32) {
    %c0_i32 = arith.constant 0 : i32
    %c0_i32_0 = arith.constant 0 : i32
    %c0_i32_1 = arith.constant 0 : i32
    return %c0_i32, %c0_i32_0 : i32, i32
  }
  func.func @transform_3(%arg0: i32) -> i32 {
    %c0_i32 = arith.constant 0 : i32
    %c0_i32_0 = arith.constant 0 : i32
    return %c0_i32 : i32
  }
  func.func @transform_4(%arg0: i32) -> (i32, i32) {
    %c0_i32 = arith.constant 0 : i32
    %c0_i32_0 = arith.constant 0 : i32
    %c0_i32_1 = arith.constant 0 : i32
    return %c0_i32, %c0_i32_0 : i32, i32
  }
  func.func @transform_5(%arg0: i32) -> i32 {
    %c0_i32 = arith.constant 0 : i32
    %c0_i32_0 = arith.constant 0 : i32
    return %c0_i32 : i32
  }
  func.func @transform_6(%arg0: i32) -> (i32, i32) {
    %c0_i32 = arith.constant 0 : i32
    %c0_i32_0 = arith.constant 0 : i32
    return %arg0, %c0_i32 : i32, i32
  }
  func.func @transform_7(%arg0: i32) -> (i32, i32) {
    %c0_i32 = arith.constant 0 : i32
    %c0_i32_0 = arith.constant 0 : i32
    %c0_i32_1 = arith.constant 0 : i32
    return %c0_i32, %c0_i32_0 : i32, i32
  }
}

module attributes {stable_mosaic.version = 14 : i64} {
  func.func @_mlp_body(%arg0: i32, %arg1: memref<1000x128xf32, #tpu.memory_space<vmem>>, %arg2: memref<1000x128xf32, #tpu.memory_space<vmem>>, %arg3: memref<128x128xf32, #tpu.memory_space<vmem>>, %arg4: memref<128xf32, #tpu.memory_space<vmem>>, %arg5: memref<128x128xf32, #tpu.memory_space<vmem>>, %arg6: memref<128xf32, #tpu.memory_space<vmem>>, %arg7: memref<1000x128xf32, #tpu.memory_space<vmem>>, %arg8: memref<1x128xf32, #tpu.memory_space<vmem>>) attributes {dimension_semantics = [#tpu.dimension_semantics<arbitrary>], iteration_bounds = array<i64: 10>, scalar_prefetch = 0 : i64, scratch_operands = 0 : i64, tpu.core_type = #tpu.core_type<tc>, window_params = [{transform_indices = @transform_0, window_bounds = array<i64: 1000, 128>}, {transform_indices = @transform_1, window_bounds = array<i64: 1000, 128>}, {pipeline_mode = #tpu.pipeline_mode<synchronous>, transform_indices = @transform_2, window_bounds = array<i64: 128, 128>}, {pipeline_mode = #tpu.pipeline_mode<synchronous>, transform_indices = @transform_3, window_bounds = array<i64: 128>}, {pipeline_mode = #tpu.pipeline_mode<synchronous>, transform_indices = @transform_4, window_bounds = array<i64: 128, 128>}, {pipeline_mode = #tpu.pipeline_mode<synchronous>, transform_indices = @transform_5, window_bounds = array<i64: 128>}, {transform_indices = @transform_6, window_bounds = array<i64: 1000, 128>}, {pipeline_mode = #tpu.pipeline_mode<synchronous>, transform_indices = @transform_7, window_bounds = array<i64: 1, 128>}]} {
    %get3A = arith.constant 0 : index
    %get3A_0 = arith.constant 0 : index
    %get3A_1 = vector.load %arg1[%get3A, %get3A_0] : memref<1000x128xf32, #tpu.memory_space<vmem>>, vector<1000x128xf32>
    %get3A_2 = arith.constant 0 : index
    %get3A_3 = arith.constant 0 : index
    %get3A_4 = vector.load %arg2[%get3A_2, %get3A_3] : memref<1000x128xf32, #tpu.memory_space<vmem>>, vector<1000x128xf32>
    %add3A = arith.addf %get3A_1, %get3A_4 : vector<1000x128xf32>
    %get3A_5 = arith.constant 0 : index
    %get3A_6 = arith.constant 0 : index
    %get3A_7 = vector.load %arg3[%get3A_5, %get3A_6] : memref<128x128xf32, #tpu.memory_space<vmem>>, vector<128x128xf32>
    %dot_general3A = arith.constant dense<0.000000e+00> : vector<1000x128xf32>
    %dot_general3A_8 = tpu.matmul %add3A, %get3A_7, %dot_general3A {dimension_numbers = #tpu.dot_dimension_numbers<[1], [0], [0], [1], [0, 0, 1, 1], [], []>, transpose_lhs_hint = false} : vector<1000x128xf32>, vector<128x128xf32>, vector<1000x128xf32> -> vector<1000x128xf32>
    %get3A_9 = arith.constant 0 : index
    %get3A_10 = vector.load %arg4[%get3A_9] : memref<128xf32, #tpu.memory_space<vmem>>, vector<128xf32>
    %broadcast_in_dim3A = vector.shape_cast %get3A_10 : vector<128xf32> to vector<1x128xf32>
    %add3A_11 = vector.broadcast %broadcast_in_dim3A : vector<1x128xf32> to vector<1000x128xf32>
    %add3A_12 = arith.addf %dot_general3A_8, %add3A_11 : vector<1000x128xf32>
    %max3A = arith.constant 0.000000e+00 : f32
    %max3A_13 = vector.broadcast %max3A : f32 to vector<1000x128xf32>
    %max3A_14 = arith.maximumf %add3A_12, %max3A_13 : vector<1000x128xf32>
    %get3A_15 = arith.constant 0 : index
    %get3A_16 = arith.constant 0 : index
    %get3A_17 = vector.load %arg5[%get3A_15, %get3A_16] : memref<128x128xf32, #tpu.memory_space<vmem>>, vector<128x128xf32>
    %dot_general3A_18 = arith.constant dense<0.000000e+00> : vector<1000x128xf32>
    %dot_general3A_19 = tpu.matmul %max3A_14, %get3A_17, %dot_general3A_18 {dimension_numbers = #tpu.dot_dimension_numbers<[1], [0], [0], [1], [0, 0, 1, 1], [], []>, transpose_lhs_hint = false} : vector<1000x128xf32>, vector<128x128xf32>, vector<1000x128xf32> -> vector<1000x128xf32>
    %get3A_20 = arith.constant 0 : index
    %get3A_21 = vector.load %arg6[%get3A_20] : memref<128xf32, #tpu.memory_space<vmem>>, vector<128xf32>
    %broadcast_in_dim3A_22 = vector.shape_cast %get3A_21 : vector<128xf32> to vector<1x128xf32>
    %add3A_23 = vector.broadcast %broadcast_in_dim3A_22 : vector<1x128xf32> to vector<1000x128xf32>
    %add3A_24 = arith.addf %dot_general3A_19, %add3A_23 : vector<1000x128xf32>
    %swap3A = arith.constant 0 : index
    %swap3A_25 = arith.constant 0 : index
    %swap3A_26 = vector.load %arg7[%swap3A, %swap3A_25] : memref<1000x128xf32, #tpu.memory_space<vmem>>, vector<1000x128xf32>
    tpu.vector_store %arg7[%swap3A, %swap3A_25], %add3A_24 {strides = array<i32>} : memref<1000x128xf32, #tpu.memory_space<vmem>>, vector<1000x128xf32>,
    %eq3A = arith.constant 0 : i32
    %eq3A_27 = arith.cmpi eq, %arg0, %eq3A : i32
    %convert_element_type3A = arith.extui %eq3A_27 : i1 to i32
    %cond3A = arith.constant 0 : i32
    %cond3A_28 = arith.cmpi ne, %convert_element_type3A, %cond3A : i32
    scf.if %cond3A_28 {
      %broadcast_in_dim3A_38 = arith.constant 0.000000e+00 : f32
      %broadcast_in_dim3A_39 = vector.broadcast %broadcast_in_dim3A_38 : f32 to vector<1x128xf32>
      %swap3A_40 = arith.constant 0 : index
      %swap3A_41 = arith.constant 0 : index
      %swap3A_42 = vector.load %arg8[%swap3A_40, %swap3A_41] : memref<1x128xf32, #tpu.memory_space<vmem>>, vector<1x128xf32>
      tpu.vector_store %arg8[%swap3A_40, %swap3A_41], %broadcast_in_dim3A_39 {strides = array<i32>} : memref<1x128xf32, #tpu.memory_space<vmem>>, vector<1x128xf32>,
    } else {
    }
    %get3A_29 = arith.constant 0 : index
    %get3A_30 = arith.constant 0 : index
    %get3A_31 = vector.load %arg8[%get3A_29, %get3A_30] : memref<1x128xf32, #tpu.memory_space<vmem>>, vector<1x128xf32>
    %reduce_sum3A = arith.constant dense<0.000000e+00> : vector<128xf32>
    %reduce_sum3A_32 = vector.multi_reduction <add>, %add3A_24, %reduce_sum3A [0] : vector<1000x128xf32> to vector<128xf32>
    %broadcast_in_dim3A_33 = vector.shape_cast %reduce_sum3A_32 : vector<128xf32> to vector<1x128xf32>
    %add3A_34 = arith.addf %get3A_31, %broadcast_in_dim3A_33 : vector<1x128xf32>
    %swap3A_35 = arith.constant 0 : index
    %swap3A_36 = arith.constant 0 : index
    %swap3A_37 = vector.load %arg8[%swap3A_35, %swap3A_36] : memref<1x128xf32, #tpu.memory_space<vmem>>, vector<1x128xf32>
    tpu.vector_store %arg8[%swap3A_35, %swap3A_36], %add3A_34 {strides = array<i32>} : memref<1x128xf32, #tpu.memory_space<vmem>>, vector<1x128xf32>,
    return
  }
  func.func @transform_0(%arg0: i32) -> (i32, i32) {
    %c0_i32 = arith.constant 0 : i32
    %c0_i32_0 = arith.constant 0 : i32
    return %arg0, %c0_i32 : i32, i32
  }
  func.func @transform_1(%arg0: i32) -> (i32, i32) {
    %c0_i32 = arith.constant 0 : i32
    %c0_i32_0 = arith.constant 0 : i32
    return %arg0, %c0_i32 : i32, i32
  }
  func.func @transform_2(%arg0: i32) -> (i32, i32) {
    %c0_i32 = arith.constant 0 : i32
    %c0_i32_0 = arith.constant 0 : i32
    %c0_i32_1 = arith.constant 0 : i32
    return %c0_i32, %c0_i32_0 : i32, i32
  }
  func.func @transform_3(%arg0: i32) -> i32 {
    %c0_i32 = arith.constant 0 : i32
    %c0_i32_0 = arith.constant 0 : i32
    return %c0_i32 : i32
  }
  func.func @transform_4(%arg0: i32) -> (i32, i32) {
    %c0_i32 = arith.constant 0 : i32
    %c0_i32_0 = arith.constant 0 : i32
    %c0_i32_1 = arith.constant 0 : i32
    return %c0_i32, %c0_i32_0 : i32, i32
  }
  func.func @transform_5(%arg0: i32) -> i32 {
    %c0_i32 = arith.constant 0 : i32
    %c0_i32_0 = arith.constant 0 : i32
    return %c0_i32 : i32
  }
  func.func @transform_6(%arg0: i32) -> (i32, i32) {
    %c0_i32 = arith.constant 0 : i32
    %c0_i32_0 = arith.constant 0 : i32
    return %arg0, %c0_i32 : i32, i32
  }
  func.func @transform_7(%arg0: i32) -> (i32, i32) {
    %c0_i32 = arith.constant 0 : i32
    %c0_i32_0 = arith.constant 0 : i32
    %c0_i32_1 = arith.constant 0 : i32
    return %c0_i32, %c0_i32_0 : i32, i32
  }
}

module attributes {stable_mosaic.version = 14 : i64} {
  func.func @_head_body(%arg0: memref<3x128xf32, #tpu.memory_space<vmem>>, %arg1: memref<3x128xf32, #tpu.memory_space<vmem>>, %arg2: memref<1xf32, #tpu.memory_space<smem>>, %arg3: memref<1x1xf32, #tpu.memory_space<vmem>>) attributes {dimension_semantics = [], scalar_prefetch = 0 : i64, scratch_operands = 0 : i64, tpu.core_type = #tpu.core_type<tc>} {
    %get3A = arith.constant 0 : index
    %get3A_0 = arith.constant 0 : index
    %get3A_1 = vector.load %arg0[%get3A, %get3A_0] : memref<3x128xf32, #tpu.memory_space<vmem>>, vector<3x128xf32>
    %get3A_2 = arith.constant 0 : index
    %get3A_3 = arith.constant 0 : index
    %get3A_4 = vector.load %arg1[%get3A_2, %get3A_3] : memref<3x128xf32, #tpu.memory_space<vmem>>, vector<3x128xf32>
    %mul3A = arith.mulf %get3A_1, %get3A_4 : vector<3x128xf32>
    %reduce_sum3A = vector.shape_cast %mul3A : vector<3x128xf32> to vector<1x3x128xf32>
    %reduce_sum3A_5 = arith.constant dense<0.000000e+00> : vector<1xf32>
    %reduce_sum3A_6 = vector.multi_reduction <add>, %reduce_sum3A, %reduce_sum3A_5 [1, 2] : vector<1x3x128xf32> to vector<1xf32>
    %reduce_sum3A_7 = vector.shape_cast %reduce_sum3A_6 : vector<1xf32> to vector<1x1x1xf32>
    %reduce_sum3A_8 = vector.extract %reduce_sum3A_7[0, 0, 0] : f32 from vector<1x1x1xf32>
    %get3A_9 = arith.constant 0 : index
    %get3A_10 = memref.load %arg2[%get3A_9] : memref<1xf32, #tpu.memory_space<smem>>
    %add3A = arith.addf %reduce_sum3A_8, %get3A_10 : f32
    %broadcast_in_dim3A = vector.broadcast %add3A : f32 to vector<1x1xf32>
    %swap3A = arith.constant 0 : index
    %swap3A_11 = arith.constant 0 : index
    %swap3A_12 = vector.load %arg3[%swap3A, %swap3A_11] : memref<1x1xf32, #tpu.memory_space<vmem>>, vector<1x1xf32>
    tpu.vector_store %arg3[%swap3A, %swap3A_11], %broadcast_in_dim3A {strides = array<i32>} : memref<1x1xf32, #tpu.memory_space<vmem>>, vector<1x1xf32>,
    return
  }
}

</mosaic_0001>

<sc_bundles>
// kernel: kernel.12.cloned.1.call-start
scs
__scs_entry_jumppad:
0x0: {  	(pc) =	sbr.rel $0x88, $3  }
0x1: {  	(tag) =	ssettag $0x0;
	lr =	simm.s32 $0x1  }
0x2: {  	[smem:$0x3F91] =	sst lr;
	_ =	strace $0xD0000000  }
0x3: {  	_ = 	snop  }
0x4: {  	_ = 	snop  }
0x5: {  	_ = 	snop  }
0x6: {  	_ = 	snop  }
0x7: {  	_ = 	snop  }
__scs_overlays_trampoline_lowered:
0x8: {  	[smem:$0x3FA0] =	sst s0  }
0x9: {  	[smem:$0x3FA1] =	sst s1  }
0xa: {  	[smem:$0x3FA2] =	sst s2  }
0xb: {  	[smem:$0x3FA3] =	sst s3  }
0xc: {  	[smem:$0x3FA4] =	sst s4  }
0xd: {  	[smem:$0x3FA5] =	sst s5  }
0xe: {  	[smem:$0x3FA6] =	sst s6  }
0xf: {  	[smem:$0x3FA7] =	sst s7  }
0x10: {  	[smem:$0x3FA8] =	sst s8  }
0x11: {  	[smem:$0x3FA9] =	sst s9;
	s0 =	simm.s32 @!p0 $0x0  }
0x12: {  	s1 =	sld [smem:$0x3F8F];
	s0 =	simm.s32 @p0 $0x1  }
0x13: {  	[smem:$0x3FAA] =	sst s0;
	s0 =	simm.s32 @!p1 $0x0  }
0x14: {  	s2 =	sld [smem:$0x3F8E];
	s0 =	simm.s32 @p1 $0x1  }
0x15: {  	[smem:$0x3FAB] =	sst s0;
	s0 =	simm.s32 @!p2 $0x0  }
0x16: {  	s3 =	sld [smem:$0x3FDB];
	s0 =	simm.s32 @p2 $0x1  }
0x17: {  	s4 =	simm.s32 $0x1BF5;
	[smem:$0x3FAD] =	sst s0  }
0x18: {  	s0 =	sld [smem:$0x3F90];
	_ =	swait.ge [sflag:s4], $0x0  }
0x19: {  	s7 =	sld [smem:$0x3F91]  }
0x1a: {  	s8 =	sadd.s32 $0xFFFFE003, lr  }
0x1b: {  	s9 =	sadd.s32 $0xFFFFFEF7, lr;
	s5 =	simm.s32 $0xFFFFFFFF;
	p2 =	slt.u32 s8, $0xFFFFF086  }
0x1c: {  	p1 =	slt.u32 s9, $0xF7A;
	s5 =	simm.s32 @!p2 $0x0  }
0x1d: {  	s5 =	simm.s32 @p1 $0x1;
	p0 =	seq.s32 s7, s2  }
0x1e: {  	s7 =	smul.u32 @!p0 $0xF7A, s2;
	p2 =	seq.s32 @!p0 s5, $0x0  }
0x1f: {  	s9 =	smul.u32 $0xF7A, s1;
	s8 =	simm.s32 @!p0 $0x1BF5;
	p2 =	por !p2, p0  }
0x20: {  	[sflag:s8] =	ssyncset.s32 @!p0 $0xFFFFF086;
	s6 =	sadd.s32 @!p0 s3, s7;
	s7 =	simm.s32 @!p0 $0x108  }
0x21: {  	s3 =	sadd.s32 s3, s9;
	s6 =	sadd.s32 @!p0 $0x88, s6;
	s7 =	simm.s32 @p2 $0x1082  }
0x22: {  	[simem:s7], [sflag:s8] =	dma.local @!p0 [hbm:s6], $0xF7A  }
0x23: {  	s9 =	sor.u32 $0xD0000000, s2;
	s6 =	simm.s32 $0x108;
	_ =	swait.ge @!p0 [sflag:s8], $0x0  }
0x24: {  	s3 =	sadd.s32 $0x88, s3;
	s6 =	simm.s32 @!p1 $0x1082;
	[sflag:s4] =	ssyncset.s32 $0xFFFFF086  }
0x25: {  	[simem:s6], [sflag:s4] =	dma.local [hbm:s3], $0xF7A  }
0x26: {  	[smem:$0x3F91] =	sst s1;
	(tag) =	ssettag s2;
	_ =	strace s9  }
0x27: {  	s1 =	sld [smem:$0x3FA1]  }
0x28: {  	s2 =	sld [smem:$0x3FA2]  }
0x29: {  	s4 =	sld [smem:$0x3FA4]  }
0x2a: {  	p0 =	seq.s32 s5, $0x0;
	s5 =	sld [smem:$0x3FA5]  }
0x2b: {  	s6 =	sld [smem:$0x3FA6]  }
0x2c: {  	s7 =	sld [smem:$0x3FA7]  }
0x2d: {  	s3 =	simm.s32 $0x108;
	s8 =	sld [smem:$0x3FA8]  }
0x2e: {  	s3 =	simm.s32 @!p0 $0x1082;
	s9 =	sld [smem:$0x3FA9]  }
0x2f: {  	lr =	sadd.s32 s0, s3;
	s0 =	sld [smem:$0x3FA0]  }
0x30: {  	s3 =	sld [smem:$0x3FA3]  }
0x31: {  	[smem:$0x3FAC] =	sst s10  }
0x32: {  	s10 =	sld [smem:$0x3FAA];
	_ =	sdelay $0x3  }
0x33: {  	p0 =	seq.s32 s10, $0x1;
	s10 =	sld [smem:$0x3FAC];
	_ =	sdelay $0x3  }
0x34: {  	[smem:$0x3FAC] =	sst s10  }
0x35: {  	s10 =	sld [smem:$0x3FAB];
	_ =	sdelay $0x3  }
0x36: {  	p1 =	seq.s32 s10, $0x1;
	s10 =	sld [smem:$0x3FAC];
	_ =	sdelay $0x3  }
0x37: {  	[smem:$0x3FAC] =	sst s10  }
0x38: {  	s10 =	sld [smem:$0x3FAD]  }
0x39: {  	_ = 	snop;
	(pc) =	sbr.ind lr, $3  }
0x3a: {  	_ = 	snop  }
0x3b: {  	_ = 	snop  }
0x3c: {  	p2 =	seq.s32 s10, $0x1;
	s10 =	sld [smem:$0x3FAC]  }
0x3d: {  	_ =	shalt  }
0x3e: {  	_ =	shalt  }
0x3f: {  	_ =	shalt  }
0x40: {  	_ =	shalt  }
0x41: {  	_ =	shalt  }
0x42: {  	_ =	shalt  }
0x43: {  	_ =	shalt  }
0x44: {  	_ =	shalt  }
0x45: {  	_ =	shalt  }
0x46: {  	_ =	shalt  }
0x47: {  	_ =	shalt  }
0x48: {  	_ =	shalt  }
0x49: {  	_ =	shalt  }
0x4a: {  	_ =	shalt  }
0x4b: {  	_ =	shalt  }
0x4c: {  	_ =	shalt  }
0x4d: {  	_ =	shalt  }
0x4e: {  	_ =	shalt  }
0x4f: {  	_ =	shalt  }
0x50: {  	_ =	shalt  }
0x51: {  	_ =	shalt  }
0x52: {  	_ =	shalt  }
0x53: {  	_ =	shalt  }
0x54: {  	_ =	shalt  }
0x55: {  	_ =	shalt  }
0x56: {  	_ =	shalt  }
0x57: {  	_ =	shalt  }
0x58: {  	_ =	shalt  }
0x59: {  	_ =	shalt  }
0x5a: {  	_ =	shalt  }
0x5b: {  	_ =	shalt  }
0x5c: {  	_ =	shalt  }
0x5d: {  	_ =	shalt  }
0x5e: {  	_ =	shalt  }
0x5f: {  	_ =	shalt  }
0x60: {  	_ =	shalt  }
0x61: {  	_ =	shalt  }
0x62: {  	_ =	shalt  }
0x63: {  	_ =	shalt  }
0x64: {  	_ =	shalt  }
0x65: {  	_ =	shalt  }
0x66: {  	_ =	shalt  }
0x67: {  	_ =	shalt  }
0x68: {  	_ =	shalt  }
0x69: {  	_ =	shalt  }
0x6a: {  	_ =	shalt  }
0x6b: {  	_ =	shalt  }
0x6c: {  	_ =	shalt  }
0x6d: {  	_ =	shalt  }
0x6e: {  	_ =	shalt  }
0x6f: {  	_ =	shalt  }
0x70: {  	_ =	shalt  }
0x71: {  	_ =	shalt  }
0x72: {  	_ =	shalt  }
0x73: {  	_ =	shalt  }
0x74: {  	_ =	shalt  }
0x75: {  	_ =	shalt  }
0x76: {  	_ =	shalt  }
0x77: {  	_ =	shalt  }
0x78: {  	_ =	shalt  }
0x79: {  	_ =	shalt  }
0x7a: {  	_ =	shalt  }
0x7b: {  	_ =	shalt  }
0x7c: {  	_ =	shalt  }
0x7d: {  	_ =	shalt  }
0x7e: {  	_ =	shalt  }
0x7f: {  	_ =	shalt  }
0x80: {  	_ =	shalt  }
0x81: {  	_ =	shalt  }
0x82: {  	_ =	shalt  }
0x83: {  	_ =	shalt  }
0x84: {  	_ =	shalt  }
0x85: {  	_ =	shalt  }
0x86: {  	_ =	shalt  }
0x87: {  	_ =	shalt  }
.Lfunc_end0:
.L_simem_size_0:
called_computation.1_lowered:
.L_overlay_start_0:
0x88: {  	s2 =	sld [smem:$0x3FD9]  }
0x89: {  	s3 =	sld [smem:$0x3FFE];
	_ =	sdelay $0x1  }
0x8a: {  	s1 =	srdreg.scid  }
0x8b: {  	s0 =	sand.u32 $0x1, s1  }
0x8c: {  	s16 =	sshll.u32 s0, $0xA;
	s2 =	sadd.s32 s3, s2  }
0x8d: {  	s2 =	sadd.s32 s2, s16  }
0x8e: {  	[smem:$0x3FB8] =	sst s2  }
0x8f: {  	_ = 	snop  }
0x90: {  	(tm) =	ssettm $0x1  }
0x91: {  	s17 =	sld [smem:$0x3FFB];
	_ =	sdelay $0x3  }
0x92: {  	_ =	strace s17  }
0x93: {  	s2 =	sld [smem:$0x3FFC];
	_ =	sdelay $0x3  }
0x94: {  	_ =	strace s2  }
0x95: {  	s2 =	sld [smem:$0x3FFD];
	_ =	sdelay $0x3  }
0x96: {  	_ =	strace s2  }
0x97: {  	_ =	strace $0x8FFFFFFF  }
0x98: {  	s18 =	sld [smem:$0x3FDB];
	_ =	sdelay $0x1  }
0x99: {  	s19 =	simm.s32 $_scs_section_size  }
0x9a: {  	s4 =	simm.s32 $_size__tile_overlayer_lowered;
	s5 =	simm.s32 $_tile_overlayer_lowered  }
0x9b: {  	s22 =	simm.s32 $0x1BFF;
	s21 =	sshll.u32 s5, $0x1;
	s2 =	sadd.s32 s19, s18  }
0x9c: {  	s6 =	simm.s32 $0x0;
	s20 =	sshll.u32 s4, $0x1;
	s4 =	sadd.s32 s21, s2  }
0x9d: {  	[timem:s6], [sflag:s22] =	dma.local [hbm:s4], s20  }
0x9e: {  	_ =	swait.ge [sflag:s22], s20  }
0x9f: {  	s3 =	ssub.s32 $0x0, s20;
	[sflag:s22] =	ssyncset.done $0x0  }
0xa0: {  	[sflag:s22] =	ssyncadd.s32 s3;
	_ =	sdelay $0x1  }
0xa1: {  	s23 =	simm.s32 $0x1B8B  }
0xa2: {  	_ =	swait.ge [sflag:s23], $0x1  }
0xa3: {  	[sflag:s23] =	ssyncset.done $0x0  }
0xa4: {  	s25 =	simm.s32 $0x1B8E;
	s24 =	sld [smem:$0x3FFE];
	[sflag:s23] =	ssyncadd.s32 $0xFFFFFFFF  }
0xa5: {  	s26 =	simm.s32 $execute0_lowered;
	[smem:$0x3FD2] =	sst s25  }
0xa6: {  	s4 =	sshll.u32 s26, $0x1;
	_ =	strace $0x80000049;
	[dreg:$0x1] =	wrdreg $0xFFFFFFFF  }
0xa7: {  	s28 =	simm.s32 $_size_execute0_lowered;
	s2 =	sadd.s32 s2, s4;
	[dreg:$0x0] =	wrdreg $0x0  }
0xa8: {  	s4 =	sshll.u32 s28, $0x1;
	[dreg:$0x2] =	wrdreg s2  }
0xa9: {  	[dreg:$0x3] =	wrdreg s4  }
0xaa: {  	[dreg:$0x4] =	wrdreg $0xC0  }
0xab: {  	_ =	task [dreg:s6], $0x5FFFF  }
0xac: {  	[dreg:$0x1] =	wrdreg $0xFFFFFFFF  }
0xad: {  	[dreg:$0x0] =	wrdreg $0x60  }
0xae: {  	[dreg:$0x2] =	wrdreg s24  }
0xaf: {  	[dreg:$0x3] =	wrdreg $0xB7800  }
0xb0: {  	[dreg:$0x4] =	wrdreg $0x9  }
0xb1: {  	_ =	task.clear_ibuf [dreg:s6], $0x5FFFF;
	_ =	strace $0x90000049  }
0xb2: {  	s29 =	simm.s32 $0x9;
	_ =	strace $0x8000004B  }
0xb3: {  	_ =	swait.ge [sflag:s29], $0x1  }
0xb4: {  	[sflag:s29] =	ssyncadd.s32 $0xFFFFFFFF  }
0xb5: {  	_ =	strace $0x9000004B  }
0xb6: {  	_ =	sfence  }
0xb7: {  	s30 =	sld [smem:$0x0];
	_ =	sdelay $0x2  }
0xb8: {  	s31 =	sshll.u32 s1, $0xD;
	s1 =	sshrl.u32 s1, $0x2  }
0xb9: {  	s3 =	sand.u32 $0x4000, s31;
	s1 =	sadd.s32 s1, s30  }
0xba: {  	s0 =	sor.u32 s3, s0;
	s1 =	sshll.u32 s1, $0x11  }
0xbb: {  	s0 =	sor.u32 s1, s0  }
0xbc: {  	s0 =	sadd.s32 $0x8F2B, s0  }
0xbd: {  	[sflag:s0] =	ssyncadd.remote.s32 $0x1  }
0xbe: {  	_ =	sfence.sel $0xFFFF  }
0xbf: {  	[dreg:$0x0] =	wrdreg $0xFFFFFFFF;
	(pc) =	sbr.abs _section_cstart, $3  }
0xc0: {  	[dreg:$0x1] =	wrdreg $0xFFFFFFFF  }
0xc1: {  	_ =	task.clear_ibuf [dreg:s6], $0x2FFFF;
	_ =	strace $0x9FFFFFFF  }
0xc2: {  	(tm) =	ssettm $0x7FFFFFFF  }
0xc3: {  	_ =	shalt  }
tec
execute0_lowered:
.L_overlay_start_1:
0x0: {  	(tag) =	ssettag $0x1  }
0x1: {  	s0 =	srdreg.scid;
	s8 =	rddreg [dreg:$0x0]  }
0x2: {  	s2 =	rddreg [dreg:$0x1];
	s17 =	simm.s32 $0x3;
	s28 =	simm.s32 $0x1  }
0x3: {  	s29 =	simm.s32 $0x2;
	s30 =	simm.s32 $0x6580;
	s1 =	sand.u32 $0x1, s0  }
0x4: {  	s31 =	simm.s32 $0x6600;
	s0 =	stileid.u32;
	s3 =	sshll.u32 s1, $0x4  }
0x5: {  	s6 =	sshll.u32 s0, $0x7;
	s7 =	smul.u32 $0x27100, s1;
	s22 =	ssub.s32 $0x2, s1  }
0x6: {  	p2 =	seq.s32 s1, $0x0;
	p3 =	sne.s32 s0, $0xF;
	p0 =	seq.s32 s0, $0xF  }
0x7: {  	s9 =	smul.u32 $0x4F000, s0;
	p4 =	seq.s32 s1, $0x1;
	s26 =	sshll.u32 s0, $0x6  }
0x8: {  	s4 =	sor.u32 s0, s3;
	s3 =	simm.s32 $0x0;
	s6 =	sand.u32 $0x380, s6  }
0x9: {  	s23 =	sshrl.u32 s22, $0x1;
	p1 =	por !p2, !p3;
	p2 =	por !p2, !p0  }
0xa: {  	p3 =	por !p3, !p4;
	p4 =	por !p0, !p4;
	s1 =	sor.u32 $0x1C03, s26  }
0xb: {  	s26 =	simm.s32 $0x8F80;
	s5 =	sshrl.u32 s4, $0x3;
	[smem:$0x7FF] =	sst s3  }
0xc: {  	s21 =	sshll.u32 s4, $0xB;
	s4 =	sadd.s32 $0x1EE00, s8;
	s13 =	sadd.s32 s7, s8  }
0xd: {  	s14 =	ssub.s32 s22, s23;
	p1 =	por !p1, !p1;
	p2 =	por !p2, !p2  }
0xe: {  	s7 =	smul.u32 $0x2780, s0;
	s24 =	sshrl.u32 s9, $0x2;
	p3 =	por !p3, !p3  }
0xf: {  	p4 =	por !p4, !p4;
	s22 =	simm.s32 $0x400;
	s23 =	simm.s32 $0x2780  }
0x10: {  	s5 =	smul.u32 $0x13C00, s5;
	_ =	strace $0x8000004A;
	s12 =	sadd.s32 s21, s8  }
0x11: {  	s9 =	sadd.s32 s24, s2;
	s13 =	sadd.s32 $0x46000, s13;
	s14 =	smax.u32 s14, $0x1  }
0x12: {  	[dreg:$0x5] =	wrdreg s1;
	p4 =	por !p4, p3;
	s1 =	sshll.u32 @p3 s0, $0x6  }
0x13: {  	s21 =	simm.s32 $0x80;
	s24 =	simm.s32 $0x50;
	s25 =	sadd.s32 s4, s7  }
0x14: {  	s12 =	sadd.s32 $0x2800, s12;
	s16 =	sshrl.u32 s9, $0x3;
	s19 =	sor.u32 @p3 $0x1C03, s1  }
0x15: {  	s20 =	sshrl.u32 @p3 s9, $0x3;
	s5 =	sor.u32 s6, s5;
	s6 =	sadd.s32 $0x128400, s2  }
0x16: {  	[dreg:$0x4] =	wrdreg s25;
	s25 =	simm.s32 $0x6780;
	s5 =	sshrl.u32 s5, $0x3  }
0x17: {  	s10 =	sadd.s32 s5, s8;
	s5 =	sadd.s32 $0x1C600, s8;
	s8 =	sadd.s32 $0x43E80, s8  }
0x18: {  	s18 =	sshrl.u32 @!p4 s6, $0x3;
	[dreg:$0x3] =	wrdreg s8;
	s11 =	sadd.s32 $0x12800, s10  }
.LBB2_1:
.Ltmp0:
0x19: {  	(pc) =	sbr.rel @!p1 .LBB2_4-.Ltmp0, $1  }
0x1a: {  	_ =	sdelay $0x3  }
0x1b: {  	s0 =	rddreg [dreg:$0x4]  }
.Ltmp1:
0x1c: {  	s1 =	rddreg [dreg:$0x5];
	(pc) =	sbr.rel .LBB2_3-.Ltmp1, $4  }
0x1d: {  	[spmem:s16], [sflag:s1] =	dma.local [hbm:s0], $0x2780  }
0x1e: {  	_ =	swait.ge [sflag:s17], $0x2780  }
0x1f: {  	[sflag:s17] =	ssyncset.done $0x0  }
0x20: {  	[sflag:s17] =	ssyncadd.s32 $0xFFFFD880  }
.LBB2_4:
.Ltmp2:
0x21: {  	(pc) =	sbr.rel @!p2 .LBB2_3-.Ltmp2, $1  }
0x22: {  	_ =	sdelay $0x3  }
0x23: {  	s1 =	sshrl.u32 s6, $0x3  }
.Ltmp3:
0x24: {  	s0 =	rddreg [dreg:$0x3];
	s8 =	simm.s32 $0x1FC3;
	(pc) =	sbr.rel .LBB2_6-.Ltmp3, $4  }
0x25: {  	[spmem:s1], [sflag:s8] =	dma.local [hbm:s0], $0x2080  }
0x26: {  	_ =	swait.ge [sflag:s17], $0x2080  }
0x27: {  	[sflag:s17] =	ssyncset.done $0x0  }
0x28: {  	[sflag:s17] =	ssyncadd.s32 $0xFFFFDF80  }
.LBB2_3:
0x29: {  	s1 =	simm.s32 @!p4 $0x1FC3  }
0x2a: {  	[spmem:s18], [sflag:s1] =	dma.local @!p4 [hbm:s5], $0x2080  }
0x2b: {  	s1 =	simm.s32 @!p4 $0x3  }
0x2c: {  	_ =	swait.ge @!p4 [sflag:s1], $0x2080  }
0x2d: {  	[sflag:s1] =	ssyncset.done @!p4 $0x0  }
0x2e: {  	[sflag:s1] =	ssyncadd.s32 @!p4 $0xFFFFDF80;
	s1 =	simm.s32 @p3 $0x3  }
0x2f: {  	[spmem:s20], [sflag:s19] =	dma.local @p3 [hbm:s5], $0x2780  }
0x30: {  	_ =	swait.ge @p3 [sflag:s1], $0x2780  }
0x31: {  	[sflag:s1] =	ssyncset.done @p3 $0x0  }
0x32: {  	[sflag:s1] =	ssyncadd.s32 @p3 $0xFFFFD880  }
.LBB2_6:
0x33: {  	s1 =	simm.s32 $0x0  }
0x34: {  	[tilespmem:s1], [sflag:$0x3] =	stream.strided.gather [hbm4b:s11+s21], $0x2780, s22, s21, $0x38;
	[tilespmem:$0x1F040] =	vst v63  }
0x35: {  	_ =	swait.ge [sflag:s17], $0x2780  }
0x36: {  	[sflag:s17] =	ssyncset.done $0x0  }
0x37: {  	[sflag:s17] =	ssyncadd.s32 $0xFFFFD880  }
0x38: {  	[tilespmem:s23], [sflag:$0x3] =	stream.linear.gather [hbm4b:s12+s1], $0x3F00, $0x38;
	[tilespmem:$0x1F040] =	vst v63  }
0x39: {  	_ =	swait.ge [sflag:s17], $0x3F00  }
0x3a: {  	[sflag:s17] =	ssyncset.done $0x0  }
0x3b: {  	[sflag:s17] =	ssyncadd.s32 $0xFFFFC100  }
0x3c: {  	[tilespmem:s25], [sflag:$0x1] =	stream.indirect.gather [hbm4b:s4+s24], $0x80, s1, s24, $0xb8;
	[tilespmem:$0x1F040] =	vst v63  }
0x3d: {  	_ = 	snop  }
0x3e: {  	[tilespmem:s26], [sflag:$0x2] =	stream.indirect.gather [hbm4b:s4+s24], $0x80, s24, s24, $0xb8;
	[tilespmem:$0x1F040] =	vst v63  }
0x3f: {  	[bflag:$0x0] =	sbarrier.arrive $0xFFFF  }
0x40: {  	_ =	swait.ge [sflag:s28], $0x2800  }
0x41: {  	[sflag:s28] =	ssyncset.done $0x0  }
0x42: {  	s8 =	simm.s32 $0x2780;
	[sflag:s28] =	ssyncadd.s32 $0xFFFFD800  }
0x43: {  	[spmem:s2] =	stream.indirect.scatter.add.f32 [tilespmem:s25], [sflag:$0x3], $0x80, s8, s24, $0xb8;
	[tilespmem:$0x1F040] =	vst v63  }
0x44: {  	_ =	swait.ge [sflag:s17], $0x2800  }
0x45: {  	[sflag:s17] =	ssyncset.done $0x0  }
0x46: {  	s10 =	simm.s32 $0xA0;
	[sflag:s17] =	ssyncadd.s32 $0xFFFFD800  }
0x47: {  	[tilespmem:s25], [sflag:$0x1] =	stream.indirect.gather [hbm4b:s4+s24], $0x80, s10, s24, $0xb8;
	[tilespmem:$0x1F040] =	vst v63  }
0x48: {  	_ =	swait.ge [sflag:s29], $0x2800  }
0x49: {  	[sflag:s29] =	ssyncset.done $0x0  }
0x4a: {  	s15 =	simm.s32 $0x2800;
	[sflag:s29] =	ssyncadd.s32 $0xFFFFD800  }
0x4b: {  	[spmem:s2] =	stream.indirect.scatter.add.f32 [tilespmem:s26], [sflag:$0x3], $0x80, s15, s24, $0xb8;
	[tilespmem:$0x1F040] =	vst v63  }
0x4c: {  	_ =	swait.ge [sflag:s17], $0x2800  }
0x4d: {  	s1 =	simm.s32 $0xF0;
	[sflag:s17] =	ssyncset.done $0x0  }
0x4e: {  	s8 =	simm.s32 $0x400;
	s10 =	simm.s32 $0x190;
	[sflag:s17] =	ssyncadd.s32 $0xFFFFD800  }
.LBB2_7:
0x4f: {  	[tilespmem:s26], [sflag:$0x2] =	stream.indirect.gather [hbm4b:s4+s24], $0x80, s1, s24, $0xb8;
	[tilespmem:$0x1F040] =	vst v63  }
0x50: {  	s0 =	smov.u32 s8;
	s1 =	smov.u32 s10  }
0x51: {  	p5 =	sne.s32 s8, $0xF400;
	s8 =	sadd.s32 $0x400, s8;
	_ =	swait.ge [sflag:s28], $0x2800  }
0x52: {  	s0 =	sshra.s32 s0, $0x2;
	[sflag:s28] =	ssyncset.done $0x0  }
0x53: {  	s15 =	sadd.s32 $0x2780, s0;
	[sflag:s28] =	ssyncadd.s32 $0xFFFFD800  }
0x54: {  	[spmem:s2] =	stream.indirect.scatter.add.f32 [tilespmem:s25], [sflag:$0x3], $0x80, s15, s24, $0xb8;
	[tilespmem:$0x1F040] =	vst v63  }
0x55: {  	_ =	swait.ge [sflag:s17], $0x2800  }
0x56: {  	[sflag:s17] =	ssyncset.done $0x0  }
0x57: {  	s15 =	sadd.s32 $0xFFFFFFB0, s10;
	[sflag:s17] =	ssyncadd.s32 $0xFFFFD800  }
0x58: {  	[tilespmem:s25], [sflag:$0x1] =	stream.indirect.gather [hbm4b:s4+s24], $0x80, s15, s24, $0xb8;
	[tilespmem:$0x1F040] =	vst v63  }
0x59: {  	_ =	swait.ge [sflag:s29], $0x2800  }
0x5a: {  	[sflag:s29] =	ssyncset.done $0x0  }
.Ltmp4:
0x5b: {  	s0 =	sadd.s32 $0x2800, s0;
	[sflag:s29] =	ssyncadd.s32 $0xFFFFD800;
	(pc) =	sbr.rel @p5 .LBB2_7-.Ltmp4, $4  }
0x5c: {  	[spmem:s2] =	stream.indirect.scatter.add.f32 [tilespmem:s26], [sflag:$0x3], $0x80, s0, s24, $0xb8;
	[tilespmem:$0x1F040] =	vst v63  }
0x5d: {  	_ =	swait.ge [sflag:s17], $0x2800  }
0x5e: {  	[sflag:s17] =	ssyncset.done $0x0  }
0x5f: {  	s10 =	sadd.s32 $0xA0, s10;
	[sflag:s17] =	ssyncadd.s32 $0xFFFFD800  }
0x60: {  	[tilespmem:s26], [sflag:$0x2] =	stream.indirect.gather [hbm4b:s4+s24], $0x80, s1, s24, $0xb8;
	[tilespmem:$0x1F040] =	vst v63  }
0x61: {  	_ =	swait.ge [sflag:s28], $0x2800  }
0x62: {  	[sflag:s28] =	ssyncset.done $0x0  }
0x63: {  	[sflag:s28] =	ssyncadd.s32 $0xFFFFD800  }
0x64: {  	[spmem:s2] =	stream.indirect.scatter.add.f32 [tilespmem:s25], [sflag:$0x3], $0x80, s30, s24, $0xb8;
	[tilespmem:$0x1F040] =	vst v63  }
0x65: {  	_ =	swait.ge [sflag:s17], $0x2800  }
0x66: {  	[sflag:s17] =	ssyncset.done $0x0  }
0x67: {  	[sflag:s17] =	ssyncadd.s32 $0xFFFFD800  }
0x68: {  	_ =	swait.ge [sflag:s29], $0x2800  }
0x69: {  	[sflag:s29] =	ssyncset.done $0x0  }
0x6a: {  	[sflag:s29] =	ssyncadd.s32 $0xFFFFD800  }
0x6b: {  	[spmem:s2] =	stream.indirect.scatter.add.f32 [tilespmem:s26], [sflag:$0x3], $0x80, s31, s24, $0xb8;
	[tilespmem:$0x1F040] =	vst v63  }
0x6c: {  	_ =	swait.ge [sflag:s17], $0x2800  }
0x6d: {  	[sflag:s17] =	ssyncset.done $0x0  }
0x6e: {  	s0 =	sadd.s32 @p0 $0x25080, s13;
	[sflag:s17] =	ssyncadd.s32 $0xFFFFD800  }
0x6f: {  	s1 =	sshrl.u32 @p0 s6, $0x3;
	s8 =	simm.s32 @p0 $0x1FC3;
	[bflag:$0x0] =	sbarrier.arrive $0xFFFF  }
0x70: {  	[hbm:s0], [sflag:s8] =	dma.local @p0 [spmem:s1], $0x2080  }
0x71: {  	s0 =	simm.s32 @p0 $0x3  }
0x72: {  	_ =	swait.ge @p0 [sflag:s0], $0x2080  }
0x73: {  	[sflag:s0] =	ssyncset.done @p0 $0x0  }
0x74: {  	s3 =	sadd.s32 $0x1, s3;
	[sflag:s0] =	ssyncadd.s32 @p0 $0xFFFFDF80;
	s0 =	stileid.u32  }
0x75: {  	p5 =	sne.s32 s3, s14;
	s0 =	sshll.u32 @!p0 s0, $0x6  }
0x76: {  	s1 =	sadd.s32 @!p0 s7, s13;
	s8 =	sshrl.u32 @!p0 s9, $0x3;
	s0 =	sor.u32 @!p0 $0x1C03, s0  }
0x77: {  	[hbm:s1], [sflag:s0] =	dma.local @!p0 [spmem:s8], $0x2780  }
.Ltmp5:
0x78: {  	_ = 	snop;
	(pc) =	sbr.rel @p5 .LBB2_1-.Ltmp5, $4  }
0x79: {  	s0 =	simm.s32 @!p0 $0x3  }
0x7a: {  	_ =	swait.ge @!p0 [sflag:s0], $0x2780  }
0x7b: {  	[sflag:s0] =	ssyncset.done @!p0 $0x0  }
0x7c: {  	[sflag:s0] =	ssyncadd.s32 @!p0 $0xFFFFD880  }
0x7d: {  	_ =	sfence.sel $0x180000  }
0x7e: {  	[bflag:$0x0] =	sbarrier.arrive $0xFFFF  }
0x7f: {  	_ =	strace $0x9000004A  }
0x80: {  	s0 =	stileid.u32;
	[bflag:$0x2] =	sbarrier.arrive $0xFFFF  }
0x81: {  	p0 =	sne.s32 s0, $0x0;
	s0 =	rddreg [dreg:$0x2]  }
0x82: {  	s0 =	sadd.s32 @!p0 $0x100000, s0  }
0x83: {  	[sflag:s0] =	ssyncadd.tile.s32 @!p0 $0x1;
	_ =	shalt  }
.Lfunc_end2:
_tile_overlayer_lowered:
.L_overlay_start_2:
0x84: {  	(tag) =	ssettag $0x2  }
0x85: {  	s0 =	rddreg [dreg:$0x0];
	s2 =	stileid.u32  }
0x86: {  	s1 =	rddreg [dreg:$0x1];
	p0 =	sne.s32 s2, $0x0  }
0x87: {  	s3 =	rddreg [dreg:$0x2];
	[bflag:$0x3] =	sbarrier.arrive $0xFFFF;
	s2 =	simm.s32 @!p0 $0x1C03  }
0x88: {  	[timem:s3], [sflag:s2] =	dma.local @!p0 [hbm:s0], s1  }
0x89: {  	s0 =	simm.s32 @!p0 $0x3  }
0x8a: {  	_ =	swait.ge @!p0 [sflag:s0], s1  }
0x8b: {  	s1 =	ssub.s32 @!p0 $0x0, s1;
	[sflag:s0] =	ssyncset.done @!p0 $0x0  }
0x8c: {  	[sflag:s0] =	ssyncadd.s32 @!p0 s1  }
0x8d: {  	[bflag:$0x3] =	sbarrier.arrive $0xFFFF  }
0x8e: {  	_ =	shalt  }

// kernel: kernel.15.cloned.1.call-start
scs
__scs_entry_jumppad:
0x0: {  	(pc) =	sbr.rel $0x88, $3  }
0x1: {  	(tag) =	ssettag $0x0;
	lr =	simm.s32 $0x1  }
0x2: {  	[smem:$0x3F91] =	sst lr;
	_ =	strace $0xD0000000  }
0x3: {  	_ = 	snop  }
0x4: {  	_ = 	snop  }
0x5: {  	_ = 	snop  }
0x6: {  	_ = 	snop  }
0x7: {  	_ = 	snop  }
__scs_overlays_trampoline_lowered:
0x8: {  	[smem:$0x3FA0] =	sst s0  }
0x9: {  	[smem:$0x3FA1] =	sst s1  }
0xa: {  	[smem:$0x3FA2] =	sst s2  }
0xb: {  	[smem:$0x3FA3] =	sst s3  }
0xc: {  	[smem:$0x3FA4] =	sst s4  }
0xd: {  	[smem:$0x3FA5] =	sst s5  }
0xe: {  	[smem:$0x3FA6] =	sst s6  }
0xf: {  	[smem:$0x3FA7] =	sst s7  }
0x10: {  	[smem:$0x3FA8] =	sst s8  }
0x11: {  	[smem:$0x3FA9] =	sst s9;
	s0 =	simm.s32 @!p0 $0x0  }
0x12: {  	s1 =	sld [smem:$0x3F8F];
	s0 =	simm.s32 @p0 $0x1  }
0x13: {  	[smem:$0x3FAA] =	sst s0;
	s0 =	simm.s32 @!p1 $0x0  }
0x14: {  	s2 =	sld [smem:$0x3F8E];
	s0 =	simm.s32 @p1 $0x1  }
0x15: {  	[smem:$0x3FAB] =	sst s0;
	s0 =	simm.s32 @!p2 $0x0  }
0x16: {  	s3 =	sld [smem:$0x3FDB];
	s0 =	simm.s32 @p2 $0x1  }
0x17: {  	s4 =	simm.s32 $0x1BF5;
	[smem:$0x3FAD] =	sst s0  }
0x18: {  	s0 =	sld [smem:$0x3F90];
	_ =	swait.ge [sflag:s4], $0x0  }
0x19: {  	s7 =	sld [smem:$0x3F91]  }
0x1a: {  	s8 =	sadd.s32 $0xFFFFE003, lr  }
0x1b: {  	s9 =	sadd.s32 $0xFFFFFEF7, lr;
	s5 =	simm.s32 $0xFFFFFFFF;
	p2 =	slt.u32 s8, $0xFFFFF086  }
0x1c: {  	p1 =	slt.u32 s9, $0xF7A;
	s5 =	simm.s32 @!p2 $0x0  }
0x1d: {  	s5 =	simm.s32 @p1 $0x1;
	p0 =	seq.s32 s7, s2  }
0x1e: {  	s7 =	smul.u32 @!p0 $0xF7A, s2;
	p2 =	seq.s32 @!p0 s5, $0x0  }
0x1f: {  	s9 =	smul.u32 $0xF7A, s1;
	s8 =	simm.s32 @!p0 $0x1BF5;
	p2 =	por !p2, p0  }
0x20: {  	[sflag:s8] =	ssyncset.s32 @!p0 $0xFFFFF086;
	s6 =	sadd.s32 @!p0 s3, s7;
	s7 =	simm.s32 @!p0 $0x108  }
0x21: {  	s3 =	sadd.s32 s3, s9;
	s6 =	sadd.s32 @!p0 $0x88, s6;
	s7 =	simm.s32 @p2 $0x1082  }
0x22: {  	[simem:s7], [sflag:s8] =	dma.local @!p0 [hbm:s6], $0xF7A  }
0x23: {  	s9 =	sor.u32 $0xD0000000, s2;
	s6 =	simm.s32 $0x108;
	_ =	swait.ge @!p0 [sflag:s8], $0x0  }
0x24: {  	s3 =	sadd.s32 $0x88, s3;
	s6 =	simm.s32 @!p1 $0x1082;
	[sflag:s4] =	ssyncset.s32 $0xFFFFF086  }
0x25: {  	[simem:s6], [sflag:s4] =	dma.local [hbm:s3], $0xF7A  }
0x26: {  	[smem:$0x3F91] =	sst s1;
	(tag) =	ssettag s2;
	_ =	strace s9  }
0x27: {  	s1 =	sld [smem:$0x3FA1]  }
0x28: {  	s2 =	sld [smem:$0x3FA2]  }
0x29: {  	s4 =	sld [smem:$0x3FA4]  }
0x2a: {  	p0 =	seq.s32 s5, $0x0;
	s5 =	sld [smem:$0x3FA5]  }
0x2b: {  	s6 =	sld [smem:$0x3FA6]  }
0x2c: {  	s7 =	sld [smem:$0x3FA7]  }
0x2d: {  	s3 =	simm.s32 $0x108;
	s8 =	sld [smem:$0x3FA8]  }
0x2e: {  	s3 =	simm.s32 @!p0 $0x1082;
	s9 =	sld [smem:$0x3FA9]  }
0x2f: {  	lr =	sadd.s32 s0, s3;
	s0 =	sld [smem:$0x3FA0]  }
0x30: {  	s3 =	sld [smem:$0x3FA3]  }
0x31: {  	[smem:$0x3FAC] =	sst s10  }
0x32: {  	s10 =	sld [smem:$0x3FAA];
	_ =	sdelay $0x3  }
0x33: {  	p0 =	seq.s32 s10, $0x1;
	s10 =	sld [smem:$0x3FAC];
	_ =	sdelay $0x3  }
0x34: {  	[smem:$0x3FAC] =	sst s10  }
0x35: {  	s10 =	sld [smem:$0x3FAB];
	_ =	sdelay $0x3  }
0x36: {  	p1 =	seq.s32 s10, $0x1;
	s10 =	sld [smem:$0x3FAC];
	_ =	sdelay $0x3  }
0x37: {  	[smem:$0x3FAC] =	sst s10  }
0x38: {  	s10 =	sld [smem:$0x3FAD]  }
0x39: {  	_ = 	snop;
	(pc) =	sbr.ind lr, $3  }
0x3a: {  	_ = 	snop  }
0x3b: {  	_ = 	snop  }
0x3c: {  	p2 =	seq.s32 s10, $0x1;
	s10 =	sld [smem:$0x3FAC]  }
0x3d: {  	_ =	shalt  }
0x3e: {  	_ =	shalt  }
0x3f: {  	_ =	shalt  }
0x40: {  	_ =	shalt  }
0x41: {  	_ =	shalt  }
0x42: {  	_ =	shalt  }
0x43: {  	_ =	shalt  }
0x44: {  	_ =	shalt  }
0x45: {  	_ =	shalt  }
0x46: {  	_ =	shalt  }
0x47: {  	_ =	shalt  }
0x48: {  	_ =	shalt  }
0x49: {  	_ =	shalt  }
0x4a: {  	_ =	shalt  }
0x4b: {  	_ =	shalt  }
0x4c: {  	_ =	shalt  }
0x4d: {  	_ =	shalt  }
0x4e: {  	_ =	shalt  }
0x4f: {  	_ =	shalt  }
0x50: {  	_ =	shalt  }
0x51: {  	_ =	shalt  }
0x52: {  	_ =	shalt  }
0x53: {  	_ =	shalt  }
0x54: {  	_ =	shalt  }
0x55: {  	_ =	shalt  }
0x56: {  	_ =	shalt  }
0x57: {  	_ =	shalt  }
0x58: {  	_ =	shalt  }
0x59: {  	_ =	shalt  }
0x5a: {  	_ =	shalt  }
0x5b: {  	_ =	shalt  }
0x5c: {  	_ =	shalt  }
0x5d: {  	_ =	shalt  }
0x5e: {  	_ =	shalt  }
0x5f: {  	_ =	shalt  }
0x60: {  	_ =	shalt  }
0x61: {  	_ =	shalt  }
0x62: {  	_ =	shalt  }
0x63: {  	_ =	shalt  }
0x64: {  	_ =	shalt  }
0x65: {  	_ =	shalt  }
0x66: {  	_ =	shalt  }
0x67: {  	_ =	shalt  }
0x68: {  	_ =	shalt  }
0x69: {  	_ =	shalt  }
0x6a: {  	_ =	shalt  }
0x6b: {  	_ =	shalt  }
0x6c: {  	_ =	shalt  }
0x6d: {  	_ =	shalt  }
0x6e: {  	_ =	shalt  }
0x6f: {  	_ =	shalt  }
0x70: {  	_ =	shalt  }
0x71: {  	_ =	shalt  }
0x72: {  	_ =	shalt  }
0x73: {  	_ =	shalt  }
0x74: {  	_ =	shalt  }
0x75: {  	_ =	shalt  }
0x76: {  	_ =	shalt  }
0x77: {  	_ =	shalt  }
0x78: {  	_ =	shalt  }
0x79: {  	_ =	shalt  }
0x7a: {  	_ =	shalt  }
0x7b: {  	_ =	shalt  }
0x7c: {  	_ =	shalt  }
0x7d: {  	_ =	shalt  }
0x7e: {  	_ =	shalt  }
0x7f: {  	_ =	shalt  }
0x80: {  	_ =	shalt  }
0x81: {  	_ =	shalt  }
0x82: {  	_ =	shalt  }
0x83: {  	_ =	shalt  }
0x84: {  	_ =	shalt  }
0x85: {  	_ =	shalt  }
0x86: {  	_ =	shalt  }
0x87: {  	_ =	shalt  }
.Lfunc_end0:
.L_simem_size_0:
called_computation.2_lowered:
.L_overlay_start_0:
0x88: {  	s2 =	sld [smem:$0x3FD9]  }
0x89: {  	s3 =	sld [smem:$0x3FFE];
	_ =	sdelay $0x1  }
0x8a: {  	s1 =	srdreg.scid  }
0x8b: {  	s0 =	sand.u32 $0x1, s1  }
0x8c: {  	s16 =	sshll.u32 s0, $0xA;
	s2 =	sadd.s32 s3, s2  }
0x8d: {  	s2 =	sadd.s32 s2, s16  }
0x8e: {  	[smem:$0x3FB8] =	sst s2  }
0x8f: {  	_ = 	snop  }
0x90: {  	(tm) =	ssettm $0x1  }
0x91: {  	s17 =	sld [smem:$0x3FFB];
	_ =	sdelay $0x3  }
0x92: {  	_ =	strace s17  }
0x93: {  	s2 =	sld [smem:$0x3FFC];
	_ =	sdelay $0x3  }
0x94: {  	_ =	strace s2  }
0x95: {  	s2 =	sld [smem:$0x3FFD];
	_ =	sdelay $0x3  }
0x96: {  	_ =	strace s2  }
0x97: {  	_ =	strace $0x8FFFFFFF  }
0x98: {  	s18 =	sld [smem:$0x3FDB];
	_ =	sdelay $0x1  }
0x99: {  	s19 =	simm.s32 $_scs_section_size  }
0x9a: {  	s4 =	simm.s32 $_size__tile_overlayer_lowered;
	s5 =	simm.s32 $_tile_overlayer_lowered  }
0x9b: {  	s22 =	simm.s32 $0x1BFF;
	s21 =	sshll.u32 s5, $0x1;
	s2 =	sadd.s32 s19, s18  }
0x9c: {  	s6 =	simm.s32 $0x0;
	s20 =	sshll.u32 s4, $0x1;
	s4 =	sadd.s32 s21, s2  }
0x9d: {  	[timem:s6], [sflag:s22] =	dma.local [hbm:s4], s20  }
0x9e: {  	_ =	swait.ge [sflag:s22], s20  }
0x9f: {  	s3 =	ssub.s32 $0x0, s20;
	[sflag:s22] =	ssyncset.done $0x0  }
0xa0: {  	[sflag:s22] =	ssyncadd.s32 s3;
	_ =	sdelay $0x1  }
0xa1: {  	s23 =	simm.s32 $0x1B8B  }
0xa2: {  	_ =	swait.ge [sflag:s23], $0x1  }
0xa3: {  	[sflag:s23] =	ssyncset.done $0x0  }
0xa4: {  	s25 =	simm.s32 $0x1B8E;
	s24 =	sld [smem:$0x3FFE];
	[sflag:s23] =	ssyncadd.s32 $0xFFFFFFFF  }
0xa5: {  	s26 =	simm.s32 $execute0_lowered;
	[smem:$0x3FD2] =	sst s25  }
0xa6: {  	s4 =	sshll.u32 s26, $0x1;
	_ =	strace $0x8000004C;
	[dreg:$0x1] =	wrdreg $0xFFFFFFFF  }
0xa7: {  	s28 =	simm.s32 $_size_execute0_lowered;
	s2 =	sadd.s32 s2, s4;
	[dreg:$0x0] =	wrdreg $0x0  }
0xa8: {  	s4 =	sshll.u32 s28, $0x1;
	[dreg:$0x2] =	wrdreg s2  }
0xa9: {  	[dreg:$0x3] =	wrdreg s4  }
0xaa: {  	[dreg:$0x4] =	wrdreg $0xC0  }
0xab: {  	_ =	task [dreg:s6], $0x5FFFF  }
0xac: {  	[dreg:$0x1] =	wrdreg $0xFFFFFFFF  }
0xad: {  	[dreg:$0x0] =	wrdreg $0x60  }
0xae: {  	[dreg:$0x2] =	wrdreg s24  }
0xaf: {  	[dreg:$0x3] =	wrdreg $0xB7800  }
0xb0: {  	[dreg:$0x4] =	wrdreg $0x9  }
0xb1: {  	_ =	task.clear_ibuf [dreg:s6], $0x5FFFF;
	_ =	strace $0x9000004C  }
0xb2: {  	s29 =	simm.s32 $0x9;
	_ =	strace $0x8000004E  }
0xb3: {  	_ =	swait.ge [sflag:s29], $0x1  }
0xb4: {  	[sflag:s29] =	ssyncadd.s32 $0xFFFFFFFF  }
0xb5: {  	_ =	strace $0x9000004E  }
0xb6: {  	_ =	sfence  }
0xb7: {  	s30 =	sld [smem:$0x0];
	_ =	sdelay $0x2  }
0xb8: {  	s31 =	sshll.u32 s1, $0xD;
	s1 =	sshrl.u32 s1, $0x2  }
0xb9: {  	s3 =	sand.u32 $0x4000, s31;
	s1 =	sadd.s32 s1, s30  }
0xba: {  	s0 =	sor.u32 s3, s0;
	s1 =	sshll.u32 s1, $0x11  }
0xbb: {  	s0 =	sor.u32 s1, s0  }
0xbc: {  	s0 =	sadd.s32 $0x8F2B, s0  }
0xbd: {  	[sflag:s0] =	ssyncadd.remote.s32 $0x1  }
0xbe: {  	_ =	sfence.sel $0xFFFF  }
0xbf: {  	[dreg:$0x0] =	wrdreg $0xFFFFFFFF;
	(pc) =	sbr.abs _section_cstart, $3  }
0xc0: {  	[dreg:$0x1] =	wrdreg $0xFFFFFFFF  }
0xc1: {  	_ =	task.clear_ibuf [dreg:s6], $0x2FFFF;
	_ =	strace $0x9FFFFFFF  }
0xc2: {  	(tm) =	ssettm $0x7FFFFFFF  }
0xc3: {  	_ =	shalt  }
tec
execute0_lowered:
.L_overlay_start_1:
0x0: {  	(tag) =	ssettag $0x1  }
0x1: {  	s0 =	srdreg.scid;
	s8 =	rddreg [dreg:$0x0]  }
0x2: {  	s2 =	rddreg [dreg:$0x1];
	s17 =	simm.s32 $0x3;
	s28 =	simm.s32 $0x1  }
0x3: {  	s29 =	simm.s32 $0x2;
	s30 =	simm.s32 $0x6580;
	s1 =	sand.u32 $0x1, s0  }
0x4: {  	s31 =	simm.s32 $0x6600;
	s0 =	stileid.u32;
	s3 =	sshll.u32 s1, $0x4  }
0x5: {  	s6 =	sshll.u32 s0, $0x7;
	s7 =	smul.u32 $0x27100, s1;
	s22 =	ssub.s32 $0x2, s1  }
0x6: {  	p2 =	seq.s32 s1, $0x0;
	p3 =	sne.s32 s0, $0xF;
	p0 =	seq.s32 s0, $0xF  }
0x7: {  	s9 =	smul.u32 $0x4F000, s0;
	p4 =	seq.s32 s1, $0x1;
	s26 =	sshll.u32 s0, $0x6  }
0x8: {  	s4 =	sor.u32 s0, s3;
	s3 =	simm.s32 $0x0;
	s6 =	sand.u32 $0x380, s6  }
0x9: {  	s23 =	sshrl.u32 s22, $0x1;
	p1 =	por !p2, !p3;
	p2 =	por !p2, !p0  }
0xa: {  	p3 =	por !p3, !p4;
	p4 =	por !p0, !p4;
	s1 =	sor.u32 $0x1C03, s26  }
0xb: {  	s26 =	simm.s32 $0x8F80;
	s5 =	sshrl.u32 s4, $0x3;
	[smem:$0x7FF] =	sst s3  }
0xc: {  	s21 =	sshll.u32 s4, $0xB;
	s4 =	sadd.s32 $0x1EE00, s8;
	s13 =	sadd.s32 s7, s8  }
0xd: {  	s14 =	ssub.s32 s22, s23;
	p1 =	por !p1, !p1;
	p2 =	por !p2, !p2  }
0xe: {  	s7 =	smul.u32 $0x2780, s0;
	s24 =	sshrl.u32 s9, $0x2;
	p3 =	por !p3, !p3  }
0xf: {  	p4 =	por !p4, !p4;
	s22 =	simm.s32 $0x400;
	s23 =	simm.s32 $0x2780  }
0x10: {  	s5 =	smul.u32 $0x13C00, s5;
	_ =	strace $0x8000004D;
	s12 =	sadd.s32 s21, s8  }
0x11: {  	s9 =	sadd.s32 s24, s2;
	s13 =	sadd.s32 $0x46000, s13;
	s14 =	smax.u32 s14, $0x1  }
0x12: {  	[dreg:$0x5] =	wrdreg s1;
	p4 =	por !p4, p3;
	s1 =	sshll.u32 @p3 s0, $0x6  }
0x13: {  	s21 =	simm.s32 $0x80;
	s24 =	simm.s32 $0x50;
	s25 =	sadd.s32 s4, s7  }
0x14: {  	s12 =	sadd.s32 $0x2800, s12;
	s16 =	sshrl.u32 s9, $0x3;
	s19 =	sor.u32 @p3 $0x1C03, s1  }
0x15: {  	s20 =	sshrl.u32 @p3 s9, $0x3;
	s5 =	sor.u32 s6, s5;
	s6 =	sadd.s32 $0x128400, s2  }
0x16: {  	[dreg:$0x4] =	wrdreg s25;
	s25 =	simm.s32 $0x6780;
	s5 =	sshrl.u32 s5, $0x3  }
0x17: {  	s10 =	sadd.s32 s5, s8;
	s5 =	sadd.s32 $0x1C600, s8;
	s8 =	sadd.s32 $0x43E80, s8  }
0x18: {  	s18 =	sshrl.u32 @!p4 s6, $0x3;
	[dreg:$0x3] =	wrdreg s8;
	s11 =	sadd.s32 $0x12800, s10  }
.LBB2_1:
.Ltmp0:
0x19: {  	(pc) =	sbr.rel @!p1 .LBB2_4-.Ltmp0, $1  }
0x1a: {  	_ =	sdelay $0x3  }
0x1b: {  	s0 =	rddreg [dreg:$0x4]  }
.Ltmp1:
0x1c: {  	s1 =	rddreg [dreg:$0x5];
	(pc) =	sbr.rel .LBB2_3-.Ltmp1, $4  }
0x1d: {  	[spmem:s16], [sflag:s1] =	dma.local [hbm:s0], $0x2780  }
0x1e: {  	_ =	swait.ge [sflag:s17], $0x2780  }
0x1f: {  	[sflag:s17] =	ssyncset.done $0x0  }
0x20: {  	[sflag:s17] =	ssyncadd.s32 $0xFFFFD880  }
.LBB2_4:
.Ltmp2:
0x21: {  	(pc) =	sbr.rel @!p2 .LBB2_3-.Ltmp2, $1  }
0x22: {  	_ =	sdelay $0x3  }
0x23: {  	s1 =	sshrl.u32 s6, $0x3  }
.Ltmp3:
0x24: {  	s0 =	rddreg [dreg:$0x3];
	s8 =	simm.s32 $0x1FC3;
	(pc) =	sbr.rel .LBB2_6-.Ltmp3, $4  }
0x25: {  	[spmem:s1], [sflag:s8] =	dma.local [hbm:s0], $0x2080  }
0x26: {  	_ =	swait.ge [sflag:s17], $0x2080  }
0x27: {  	[sflag:s17] =	ssyncset.done $0x0  }
0x28: {  	[sflag:s17] =	ssyncadd.s32 $0xFFFFDF80  }
.LBB2_3:
0x29: {  	s1 =	simm.s32 @!p4 $0x1FC3  }
0x2a: {  	[spmem:s18], [sflag:s1] =	dma.local @!p4 [hbm:s5], $0x2080  }
0x2b: {  	s1 =	simm.s32 @!p4 $0x3  }
0x2c: {  	_ =	swait.ge @!p4 [sflag:s1], $0x2080  }
0x2d: {  	[sflag:s1] =	ssyncset.done @!p4 $0x0  }
0x2e: {  	[sflag:s1] =	ssyncadd.s32 @!p4 $0xFFFFDF80;
	s1 =	simm.s32 @p3 $0x3  }
0x2f: {  	[spmem:s20], [sflag:s19] =	dma.local @p3 [hbm:s5], $0x2780  }
0x30: {  	_ =	swait.ge @p3 [sflag:s1], $0x2780  }
0x31: {  	[sflag:s1] =	ssyncset.done @p3 $0x0  }
0x32: {  	[sflag:s1] =	ssyncadd.s32 @p3 $0xFFFFD880  }
.LBB2_6:
0x33: {  	s1 =	simm.s32 $0x0  }
0x34: {  	[tilespmem:s1], [sflag:$0x3] =	stream.strided.gather [hbm4b:s11+s21], $0x2780, s22, s21, $0x38;
	[tilespmem:$0x1F040] =	vst v63  }
0x35: {  	_ =	swait.ge [sflag:s17], $0x2780  }
0x36: {  	[sflag:s17] =	ssyncset.done $0x0  }
0x37: {  	[sflag:s17] =	ssyncadd.s32 $0xFFFFD880  }
0x38: {  	[tilespmem:s23], [sflag:$0x3] =	stream.linear.gather [hbm4b:s12+s1], $0x3F00, $0x38;
	[tilespmem:$0x1F040] =	vst v63  }
0x39: {  	_ =	swait.ge [sflag:s17], $0x3F00  }
0x3a: {  	[sflag:s17] =	ssyncset.done $0x0  }
0x3b: {  	[sflag:s17] =	ssyncadd.s32 $0xFFFFC100  }
0x3c: {  	[tilespmem:s25], [sflag:$0x1] =	stream.indirect.gather [hbm4b:s4+s24], $0x80, s1, s24, $0xb8;
	[tilespmem:$0x1F040] =	vst v63  }
0x3d: {  	_ = 	snop  }
0x3e: {  	[tilespmem:s26], [sflag:$0x2] =	stream.indirect.gather [hbm4b:s4+s24], $0x80, s24, s24, $0xb8;
	[tilespmem:$0x1F040] =	vst v63  }
0x3f: {  	[bflag:$0x0] =	sbarrier.arrive $0xFFFF  }
0x40: {  	_ =	swait.ge [sflag:s28], $0x2800  }
0x41: {  	[sflag:s28] =	ssyncset.done $0x0  }
0x42: {  	s8 =	simm.s32 $0x2780;
	[sflag:s28] =	ssyncadd.s32 $0xFFFFD800  }
0x43: {  	[spmem:s2] =	stream.indirect.scatter.add.f32 [tilespmem:s25], [sflag:$0x3], $0x80, s8, s24, $0xb8;
	[tilespmem:$0x1F040] =	vst v63  }
0x44: {  	_ =	swait.ge [sflag:s17], $0x2800  }
0x45: {  	[sflag:s17] =	ssyncset.done $0x0  }
0x46: {  	s10 =	simm.s32 $0xA0;
	[sflag:s17] =	ssyncadd.s32 $0xFFFFD800  }
0x47: {  	[tilespmem:s25], [sflag:$0x1] =	stream.indirect.gather [hbm4b:s4+s24], $0x80, s10, s24, $0xb8;
	[tilespmem:$0x1F040] =	vst v63  }
0x48: {  	_ =	swait.ge [sflag:s29], $0x2800  }
0x49: {  	[sflag:s29] =	ssyncset.done $0x0  }
0x4a: {  	s15 =	simm.s32 $0x2800;
	[sflag:s29] =	ssyncadd.s32 $0xFFFFD800  }
0x4b: {  	[spmem:s2] =	stream.indirect.scatter.add.f32 [tilespmem:s26], [sflag:$0x3], $0x80, s15, s24, $0xb8;
	[tilespmem:$0x1F040] =	vst v63  }
0x4c: {  	_ =	swait.ge [sflag:s17], $0x2800  }
0x4d: {  	s1 =	simm.s32 $0xF0;
	[sflag:s17] =	ssyncset.done $0x0  }
0x4e: {  	s8 =	simm.s32 $0x400;
	s10 =	simm.s32 $0x190;
	[sflag:s17] =	ssyncadd.s32 $0xFFFFD800  }
.LBB2_7:
0x4f: {  	[tilespmem:s26], [sflag:$0x2] =	stream.indirect.gather [hbm4b:s4+s24], $0x80, s1, s24, $0xb8;
	[tilespmem:$0x1F040] =	vst v63  }
0x50: {  	s0 =	smov.u32 s8;
	s1 =	smov.u32 s10  }
0x51: {  	p5 =	sne.s32 s8, $0xF400;
	s8 =	sadd.s32 $0x400, s8;
	_ =	swait.ge [sflag:s28], $0x2800  }
0x52: {  	s0 =	sshra.s32 s0, $0x2;
	[sflag:s28] =	ssyncset.done $0x0  }
0x53: {  	s15 =	sadd.s32 $0x2780, s0;
	[sflag:s28] =	ssyncadd.s32 $0xFFFFD800  }
0x54: {  	[spmem:s2] =	stream.indirect.scatter.add.f32 [tilespmem:s25], [sflag:$0x3], $0x80, s15, s24, $0xb8;
	[tilespmem:$0x1F040] =	vst v63  }
0x55: {  	_ =	swait.ge [sflag:s17], $0x2800  }
0x56: {  	[sflag:s17] =	ssyncset.done $0x0  }
0x57: {  	s15 =	sadd.s32 $0xFFFFFFB0, s10;
	[sflag:s17] =	ssyncadd.s32 $0xFFFFD800  }
0x58: {  	[tilespmem:s25], [sflag:$0x1] =	stream.indirect.gather [hbm4b:s4+s24], $0x80, s15, s24, $0xb8;
	[tilespmem:$0x1F040] =	vst v63  }
0x59: {  	_ =	swait.ge [sflag:s29], $0x2800  }
0x5a: {  	[sflag:s29] =	ssyncset.done $0x0  }
.Ltmp4:
0x5b: {  	s0 =	sadd.s32 $0x2800, s0;
	[sflag:s29] =	ssyncadd.s32 $0xFFFFD800;
	(pc) =	sbr.rel @p5 .LBB2_7-.Ltmp4, $4  }
0x5c: {  	[spmem:s2] =	stream.indirect.scatter.add.f32 [tilespmem:s26], [sflag:$0x3], $0x80, s0, s24, $0xb8;
	[tilespmem:$0x1F040] =	vst v63  }
0x5d: {  	_ =	swait.ge [sflag:s17], $0x2800  }
0x5e: {  	[sflag:s17] =	ssyncset.done $0x0  }
0x5f: {  	s10 =	sadd.s32 $0xA0, s10;
	[sflag:s17] =	ssyncadd.s32 $0xFFFFD800  }
0x60: {  	[tilespmem:s26], [sflag:$0x2] =	stream.indirect.gather [hbm4b:s4+s24], $0x80, s1, s24, $0xb8;
	[tilespmem:$0x1F040] =	vst v63  }
0x61: {  	_ =	swait.ge [sflag:s28], $0x2800  }
0x62: {  	[sflag:s28] =	ssyncset.done $0x0  }
0x63: {  	[sflag:s28] =	ssyncadd.s32 $0xFFFFD800  }
0x64: {  	[spmem:s2] =	stream.indirect.scatter.add.f32 [tilespmem:s25], [sflag:$0x3], $0x80, s30, s24, $0xb8;
	[tilespmem:$0x1F040] =	vst v63  }
0x65: {  	_ =	swait.ge [sflag:s17], $0x2800  }
0x66: {  	[sflag:s17] =	ssyncset.done $0x0  }
0x67: {  	[sflag:s17] =	ssyncadd.s32 $0xFFFFD800  }
0x68: {  	_ =	swait.ge [sflag:s29], $0x2800  }
0x69: {  	[sflag:s29] =	ssyncset.done $0x0  }
0x6a: {  	[sflag:s29] =	ssyncadd.s32 $0xFFFFD800  }
0x6b: {  	[spmem:s2] =	stream.indirect.scatter.add.f32 [tilespmem:s26], [sflag:$0x3], $0x80, s31, s24, $0xb8;
	[tilespmem:$0x1F040] =	vst v63  }
0x6c: {  	_ =	swait.ge [sflag:s17], $0x2800  }
0x6d: {  	[sflag:s17] =	ssyncset.done $0x0  }
0x6e: {  	s0 =	sadd.s32 @p0 $0x25080, s13;
	[sflag:s17] =	ssyncadd.s32 $0xFFFFD800  }
0x6f: {  	s1 =	sshrl.u32 @p0 s6, $0x3;
	s8 =	simm.s32 @p0 $0x1FC3;
	[bflag:$0x0] =	sbarrier.arrive $0xFFFF  }
0x70: {  	[hbm:s0], [sflag:s8] =	dma.local @p0 [spmem:s1], $0x2080  }
0x71: {  	s0 =	simm.s32 @p0 $0x3  }
0x72: {  	_ =	swait.ge @p0 [sflag:s0], $0x2080  }
0x73: {  	[sflag:s0] =	ssyncset.done @p0 $0x0  }
0x74: {  	s3 =	sadd.s32 $0x1, s3;
	[sflag:s0] =	ssyncadd.s32 @p0 $0xFFFFDF80;
	s0 =	stileid.u32  }
0x75: {  	p5 =	sne.s32 s3, s14;
	s0 =	sshll.u32 @!p0 s0, $0x6  }
0x76: {  	s1 =	sadd.s32 @!p0 s7, s13;
	s8 =	sshrl.u32 @!p0 s9, $0x3;
	s0 =	sor.u32 @!p0 $0x1C03, s0  }
0x77: {  	[hbm:s1], [sflag:s0] =	dma.local @!p0 [spmem:s8], $0x2780  }
.Ltmp5:
0x78: {  	_ = 	snop;
	(pc) =	sbr.rel @p5 .LBB2_1-.Ltmp5, $4  }
0x79: {  	s0 =	simm.s32 @!p0 $0x3  }
0x7a: {  	_ =	swait.ge @!p0 [sflag:s0], $0x2780  }
0x7b: {  	[sflag:s0] =	ssyncset.done @!p0 $0x0  }
0x7c: {  	[sflag:s0] =	ssyncadd.s32 @!p0 $0xFFFFD880  }
0x7d: {  	_ =	sfence.sel $0x180000  }
0x7e: {  	[bflag:$0x0] =	sbarrier.arrive $0xFFFF  }
0x7f: {  	_ =	strace $0x9000004D  }
0x80: {  	s0 =	stileid.u32;
	[bflag:$0x2] =	sbarrier.arrive $0xFFFF  }
0x81: {  	p0 =	sne.s32 s0, $0x0;
	s0 =	rddreg [dreg:$0x2]  }
0x82: {  	s0 =	sadd.s32 @!p0 $0x100000, s0  }
0x83: {  	[sflag:s0] =	ssyncadd.tile.s32 @!p0 $0x1;
	_ =	shalt  }
.Lfunc_end2:
_tile_overlayer_lowered:
.L_overlay_start_2:
0x84: {  	(tag) =	ssettag $0x2  }
0x85: {  	s0 =	rddreg [dreg:$0x0];
	s2 =	stileid.u32  }
0x86: {  	s1 =	rddreg [dreg:$0x1];
	p0 =	sne.s32 s2, $0x0  }
0x87: {  	s3 =	rddreg [dreg:$0x2];
	[bflag:$0x3] =	sbarrier.arrive $0xFFFF;
	s2 =	simm.s32 @!p0 $0x1C03  }
0x88: {  	[timem:s3], [sflag:s2] =	dma.local @!p0 [hbm:s0], s1  }
0x89: {  	s0 =	simm.s32 @!p0 $0x3  }
0x8a: {  	_ =	swait.ge @!p0 [sflag:s0], s1  }
0x8b: {  	s1 =	ssub.s32 @!p0 $0x0, s1;
	[sflag:s0] =	ssyncset.done @!p0 $0x0  }
0x8c: {  	[sflag:s0] =	ssyncadd.s32 @!p0 s1  }
0x8d: {  	[bflag:$0x3] =	sbarrier.arrive $0xFFFF  }
0x8e: {  	_ =	shalt  }

// kernel: kernel.9.cloned.1.call-start
scs
__scs_entry_jumppad:
0x0: {  	(pc) =	sbr.rel $0x88, $3  }
0x1: {  	(tag) =	ssettag $0x0;
	lr =	simm.s32 $0x1  }
0x2: {  	[smem:$0x3F91] =	sst lr;
	_ =	strace $0xD0000000  }
0x3: {  	_ = 	snop  }
0x4: {  	_ = 	snop  }
0x5: {  	_ = 	snop  }
0x6: {  	_ = 	snop  }
0x7: {  	_ = 	snop  }
__scs_overlays_trampoline_lowered:
0x8: {  	[smem:$0x3FA0] =	sst s0  }
0x9: {  	[smem:$0x3FA1] =	sst s1  }
0xa: {  	[smem:$0x3FA2] =	sst s2  }
0xb: {  	[smem:$0x3FA3] =	sst s3  }
0xc: {  	[smem:$0x3FA4] =	sst s4  }
0xd: {  	[smem:$0x3FA5] =	sst s5  }
0xe: {  	[smem:$0x3FA6] =	sst s6  }
0xf: {  	[smem:$0x3FA7] =	sst s7  }
0x10: {  	[smem:$0x3FA8] =	sst s8  }
0x11: {  	[smem:$0x3FA9] =	sst s9;
	s0 =	simm.s32 @!p0 $0x0  }
0x12: {  	s1 =	sld [smem:$0x3F8F];
	s0 =	simm.s32 @p0 $0x1  }
0x13: {  	[smem:$0x3FAA] =	sst s0;
	s0 =	simm.s32 @!p1 $0x0  }
0x14: {  	s2 =	sld [smem:$0x3F8E];
	s0 =	simm.s32 @p1 $0x1  }
0x15: {  	[smem:$0x3FAB] =	sst s0;
	s0 =	simm.s32 @!p2 $0x0  }
0x16: {  	s3 =	sld [smem:$0x3FDB];
	s0 =	simm.s32 @p2 $0x1  }
0x17: {  	s4 =	simm.s32 $0x1BF5;
	[smem:$0x3FAD] =	sst s0  }
0x18: {  	s0 =	sld [smem:$0x3F90];
	_ =	swait.ge [sflag:s4], $0x0  }
0x19: {  	s7 =	sld [smem:$0x3F91]  }
0x1a: {  	s8 =	sadd.s32 $0xFFFFE003, lr  }
0x1b: {  	s9 =	sadd.s32 $0xFFFFFEF7, lr;
	s5 =	simm.s32 $0xFFFFFFFF;
	p2 =	slt.u32 s8, $0xFFFFF086  }
0x1c: {  	p1 =	slt.u32 s9, $0xF7A;
	s5 =	simm.s32 @!p2 $0x0  }
0x1d: {  	s5 =	simm.s32 @p1 $0x1;
	p0 =	seq.s32 s7, s2  }
0x1e: {  	s7 =	smul.u32 @!p0 $0xF7A, s2;
	p2 =	seq.s32 @!p0 s5, $0x0  }
0x1f: {  	s9 =	smul.u32 $0xF7A, s1;
	s8 =	simm.s32 @!p0 $0x1BF5;
	p2 =	por !p2, p0  }
0x20: {  	[sflag:s8] =	ssyncset.s32 @!p0 $0xFFFFF086;
	s6 =	sadd.s32 @!p0 s3, s7;
	s7 =	simm.s32 @!p0 $0x108  }
0x21: {  	s3 =	sadd.s32 s3, s9;
	s6 =	sadd.s32 @!p0 $0x88, s6;
	s7 =	simm.s32 @p2 $0x1082  }
0x22: {  	[simem:s7], [sflag:s8] =	dma.local @!p0 [hbm:s6], $0xF7A  }
0x23: {  	s9 =	sor.u32 $0xD0000000, s2;
	s6 =	simm.s32 $0x108;
	_ =	swait.ge @!p0 [sflag:s8], $0x0  }
0x24: {  	s3 =	sadd.s32 $0x88, s3;
	s6 =	simm.s32 @!p1 $0x1082;
	[sflag:s4] =	ssyncset.s32 $0xFFFFF086  }
0x25: {  	[simem:s6], [sflag:s4] =	dma.local [hbm:s3], $0xF7A  }
0x26: {  	[smem:$0x3F91] =	sst s1;
	(tag) =	ssettag s2;
	_ =	strace s9  }
0x27: {  	s1 =	sld [smem:$0x3FA1]  }
0x28: {  	s2 =	sld [smem:$0x3FA2]  }
0x29: {  	s4 =	sld [smem:$0x3FA4]  }
0x2a: {  	p0 =	seq.s32 s5, $0x0;
	s5 =	sld [smem:$0x3FA5]  }
0x2b: {  	s6 =	sld [smem:$0x3FA6]  }
0x2c: {  	s7 =	sld [smem:$0x3FA7]  }
0x2d: {  	s3 =	simm.s32 $0x108;
	s8 =	sld [smem:$0x3FA8]  }
0x2e: {  	s3 =	simm.s32 @!p0 $0x1082;
	s9 =	sld [smem:$0x3FA9]  }
0x2f: {  	lr =	sadd.s32 s0, s3;
	s0 =	sld [smem:$0x3FA0]  }
0x30: {  	s3 =	sld [smem:$0x3FA3]  }
0x31: {  	[smem:$0x3FAC] =	sst s10  }
0x32: {  	s10 =	sld [smem:$0x3FAA];
	_ =	sdelay $0x3  }
0x33: {  	p0 =	seq.s32 s10, $0x1;
	s10 =	sld [smem:$0x3FAC];
	_ =	sdelay $0x3  }
0x34: {  	[smem:$0x3FAC] =	sst s10  }
0x35: {  	s10 =	sld [smem:$0x3FAB];
	_ =	sdelay $0x3  }
0x36: {  	p1 =	seq.s32 s10, $0x1;
	s10 =	sld [smem:$0x3FAC];
	_ =	sdelay $0x3  }
0x37: {  	[smem:$0x3FAC] =	sst s10  }
0x38: {  	s10 =	sld [smem:$0x3FAD]  }
0x39: {  	_ = 	snop;
	(pc) =	sbr.ind lr, $3  }
0x3a: {  	_ = 	snop  }
0x3b: {  	_ = 	snop  }
0x3c: {  	p2 =	seq.s32 s10, $0x1;
	s10 =	sld [smem:$0x3FAC]  }
0x3d: {  	_ =	shalt  }
0x3e: {  	_ =	shalt  }
0x3f: {  	_ =	shalt  }
0x40: {  	_ =	shalt  }
0x41: {  	_ =	shalt  }
0x42: {  	_ =	shalt  }
0x43: {  	_ =	shalt  }
0x44: {  	_ =	shalt  }
0x45: {  	_ =	shalt  }
0x46: {  	_ =	shalt  }
0x47: {  	_ =	shalt  }
0x48: {  	_ =	shalt  }
0x49: {  	_ =	shalt  }
0x4a: {  	_ =	shalt  }
0x4b: {  	_ =	shalt  }
0x4c: {  	_ =	shalt  }
0x4d: {  	_ =	shalt  }
0x4e: {  	_ =	shalt  }
0x4f: {  	_ =	shalt  }
0x50: {  	_ =	shalt  }
0x51: {  	_ =	shalt  }
0x52: {  	_ =	shalt  }
0x53: {  	_ =	shalt  }
0x54: {  	_ =	shalt  }
0x55: {  	_ =	shalt  }
0x56: {  	_ =	shalt  }
0x57: {  	_ =	shalt  }
0x58: {  	_ =	shalt  }
0x59: {  	_ =	shalt  }
0x5a: {  	_ =	shalt  }
0x5b: {  	_ =	shalt  }
0x5c: {  	_ =	shalt  }
0x5d: {  	_ =	shalt  }
0x5e: {  	_ =	shalt  }
0x5f: {  	_ =	shalt  }
0x60: {  	_ =	shalt  }
0x61: {  	_ =	shalt  }
0x62: {  	_ =	shalt  }
0x63: {  	_ =	shalt  }
0x64: {  	_ =	shalt  }
0x65: {  	_ =	shalt  }
0x66: {  	_ =	shalt  }
0x67: {  	_ =	shalt  }
0x68: {  	_ =	shalt  }
0x69: {  	_ =	shalt  }
0x6a: {  	_ =	shalt  }
0x6b: {  	_ =	shalt  }
0x6c: {  	_ =	shalt  }
0x6d: {  	_ =	shalt  }
0x6e: {  	_ =	shalt  }
0x6f: {  	_ =	shalt  }
0x70: {  	_ =	shalt  }
0x71: {  	_ =	shalt  }
0x72: {  	_ =	shalt  }
0x73: {  	_ =	shalt  }
0x74: {  	_ =	shalt  }
0x75: {  	_ =	shalt  }
0x76: {  	_ =	shalt  }
0x77: {  	_ =	shalt  }
0x78: {  	_ =	shalt  }
0x79: {  	_ =	shalt  }
0x7a: {  	_ =	shalt  }
0x7b: {  	_ =	shalt  }
0x7c: {  	_ =	shalt  }
0x7d: {  	_ =	shalt  }
0x7e: {  	_ =	shalt  }
0x7f: {  	_ =	shalt  }
0x80: {  	_ =	shalt  }
0x81: {  	_ =	shalt  }
0x82: {  	_ =	shalt  }
0x83: {  	_ =	shalt  }
0x84: {  	_ =	shalt  }
0x85: {  	_ =	shalt  }
0x86: {  	_ =	shalt  }
0x87: {  	_ =	shalt  }
.Lfunc_end0:
.L_simem_size_0:
called_computation_lowered:
.L_overlay_start_0:
0x88: {  	s2 =	sld [smem:$0x3FD9]  }
0x89: {  	s3 =	sld [smem:$0x3FFE];
	_ =	sdelay $0x1  }
0x8a: {  	s1 =	srdreg.scid  }
0x8b: {  	s0 =	sand.u32 $0x1, s1  }
0x8c: {  	s17 =	sshll.u32 s0, $0xA;
	s2 =	sadd.s32 s3, s2  }
0x8d: {  	s2 =	sadd.s32 s2, s17  }
0x8e: {  	[smem:$0x3FB8] =	sst s2  }
0x8f: {  	_ = 	snop  }
0x90: {  	s2 =	sld [smem:$0x3FC9];
	(tm) =	ssettm $0x1  }
0x91: {  	s18 =	sld [smem:$0x3FFB];
	_ =	sdelay $0x3  }
0x92: {  	_ =	strace s18  }
0x93: {  	s3 =	sld [smem:$0x3FFC];
	_ =	sdelay $0x3  }
0x94: {  	_ =	strace s3  }
0x95: {  	s3 =	sld [smem:$0x3FFD];
	_ =	sdelay $0x3  }
0x96: {  	_ =	strace s3  }
0x97: {  	_ =	strace $0x8FFFFFFF  }
0x98: {  	s19 =	sld [smem:$0x3FDB];
	_ =	sdelay $0x1  }
0x99: {  	s4 =	simm.s32 $_scs_section_size  }
0x9a: {  	s5 =	simm.s32 $_size__tile_overlayer_lowered;
	s6 =	simm.s32 $_tile_overlayer_lowered  }
0x9b: {  	s22 =	simm.s32 $0x1BFF;
	s21 =	sshll.u32 s6, $0x1;
	s3 =	sadd.s32 s4, s19  }
0x9c: {  	s7 =	simm.s32 $0x0;
	s20 =	sshll.u32 s5, $0x1;
	s5 =	sadd.s32 s21, s3  }
0x9d: {  	[timem:s7], [sflag:s22] =	dma.local [hbm:s5], s20  }
0x9e: {  	_ =	swait.ge [sflag:s22], s20  }
0x9f: {  	s4 =	ssub.s32 $0x0, s20;
	[sflag:s22] =	ssyncset.done $0x0  }
0xa0: {  	[sflag:s22] =	ssyncadd.s32 s4;
	_ =	sdelay $0x1  }
0xa1: {  	s23 =	simm.s32 $0x1B8B  }
0xa2: {  	_ =	swait.ge [sflag:s23], $0x1  }
0xa3: {  	[sflag:s23] =	ssyncset.done $0x0  }
0xa4: {  	s25 =	simm.s32 $0x1B8E;
	s24 =	sld [smem:$0x3FFE];
	[sflag:s23] =	ssyncadd.s32 $0xFFFFFFFF  }
0xa5: {  	s26 =	simm.s32 $execute0_lowered;
	[smem:$0x3FD2] =	sst s25  }
0xa6: {  	s5 =	sshll.u32 s26, $0x1;
	_ =	strace $0x80000046;
	[dreg:$0x1] =	wrdreg $0xFFFFFFFF  }
0xa7: {  	s28 =	simm.s32 $_size_execute0_lowered;
	s3 =	sadd.s32 s3, s5;
	[dreg:$0x0] =	wrdreg $0x0  }
0xa8: {  	s5 =	sshll.u32 s28, $0x1;
	[dreg:$0x2] =	wrdreg s3  }
0xa9: {  	[dreg:$0x3] =	wrdreg s5  }
0xaa: {  	[dreg:$0x4] =	wrdreg $0xC0  }
0xab: {  	_ =	task [dreg:s7], $0x5FFFF  }
0xac: {  	[dreg:$0x1] =	wrdreg $0xFFFFFFFF  }
0xad: {  	[dreg:$0x0] =	wrdreg $0x60  }
0xae: {  	[dreg:$0x2] =	wrdreg s2  }
0xaf: {  	[dreg:$0x3] =	wrdreg s24  }
0xb0: {  	[dreg:$0x4] =	wrdreg $0xB7800  }
0xb1: {  	[dreg:$0x5] =	wrdreg $0x9  }
0xb2: {  	_ =	task.clear_ibuf [dreg:s7], $0x6FFFF;
	_ =	strace $0x90000046  }
0xb3: {  	s29 =	simm.s32 $0x9;
	_ =	strace $0x80000048  }
0xb4: {  	_ =	swait.ge [sflag:s29], $0x1  }
0xb5: {  	[sflag:s29] =	ssyncadd.s32 $0xFFFFFFFF  }
0xb6: {  	_ =	strace $0x90000048  }
0xb7: {  	_ =	sfence  }
0xb8: {  	s30 =	sld [smem:$0x0];
	_ =	sdelay $0x2  }
0xb9: {  	s31 =	sshll.u32 s1, $0xD;
	s1 =	sshrl.u32 s1, $0x2  }
0xba: {  	s3 =	sand.u32 $0x4000, s31;
	s1 =	sadd.s32 s1, s30  }
0xbb: {  	s0 =	sor.u32 s3, s0;
	s1 =	sshll.u32 s1, $0x11  }
0xbc: {  	s0 =	sor.u32 s1, s0  }
0xbd: {  	s0 =	sadd.s32 $0x8F2B, s0  }
0xbe: {  	[sflag:s0] =	ssyncadd.remote.s32 $0x1  }
0xbf: {  	_ =	sfence.sel $0xFFFF  }
0xc0: {  	[dreg:$0x0] =	wrdreg $0xFFFFFFFF;
	(pc) =	sbr.abs _section_cstart, $3  }
0xc1: {  	[dreg:$0x1] =	wrdreg $0xFFFFFFFF  }
0xc2: {  	_ =	task.clear_ibuf [dreg:s7], $0x2FFFF;
	_ =	strace $0x9FFFFFFF  }
0xc3: {  	(tm) =	ssettm $0x7FFFFFFF  }
tec
execute0_lowered:
.L_overlay_start_1:
0x0: {  	(tag) =	ssettag $0x1  }
0x1: {  	s0 =	srdreg.scid;
	s1 =	rddreg [dreg:$0x0]  }
0x2: {  	s6 =	rddreg [dreg:$0x1];
	s17 =	simm.s32 $0x3;
	s21 =	simm.s32 $0x80  }
0x3: {  	s28 =	simm.s32 $0x1;
	s29 =	simm.s32 $0x2;
	s30 =	simm.s32 $0x6580  }
0x4: {  	s31 =	simm.s32 $0x6600;
	s2 =	sand.u32 $0x1, s0;
	s0 =	stileid.u32  }
0x5: {  	s11 =	sadd.s32 $0x25080, s1;
	s3 =	sshll.u32 s2, $0x4;
	s8 =	sshll.u32 s0, $0x7  }
0x6: {  	s22 =	smul.u32 $0x27100, s2;
	s23 =	ssub.s32 $0x2, s2;
	p2 =	seq.s32 s2, $0x0  }
0x7: {  	p3 =	sne.s32 s0, $0xF;
	p0 =	seq.s32 s0, $0xF;
	s9 =	smul.u32 $0x4F000, s0  }
0x8: {  	p4 =	seq.s32 s2, $0x1;
	s26 =	sshll.u32 s0, $0x6;
	s5 =	sor.u32 s0, s3  }
0x9: {  	s3 =	rddreg [dreg:$0x2];
	s8 =	sand.u32 $0x380, s8;
	s24 =	sshrl.u32 s23, $0x1  }
0xa: {  	p1 =	por !p2, !p3;
	p2 =	por !p2, !p0;
	p3 =	por !p3, !p4  }
0xb: {  	p4 =	por !p0, !p4;
	s2 =	sor.u32 $0x1C03, s26;
	s26 =	simm.s32 $0x8F80  }
0xc: {  	s4 =	sshrl.u32 s5, $0x3;
	s5 =	sshll.u32 s5, $0xB;
	s14 =	ssub.s32 s23, s24  }
0xd: {  	p1 =	por !p1, !p1;
	p2 =	por !p2, !p2;
	s9 =	sshrl.u32 s9, $0x2  }
0xe: {  	p3 =	por !p3, !p3;
	p4 =	por !p4, !p4;
	s23 =	simm.s32 $0x2780  }
0xf: {  	s24 =	simm.s32 $0x50;
	s7 =	smul.u32 $0x13C00, s4;
	s4 =	simm.s32 $0x0  }
0x10: {  	s12 =	sadd.s32 s5, s6;
	s5 =	sadd.s32 $0x1C600, s6;
	s9 =	sadd.s32 s9, s3  }
0x11: {  	s14 =	smax.u32 s14, $0x1;
	p4 =	por !p4, p3;
	[smem:$0x7FF] =	sst s4  }
0x12: {  	s12 =	sadd.s32 $0x2800, s12;
	s16 =	sshrl.u32 s9, $0x3;
	s20 =	sshrl.u32 @p3 s9, $0x3  }
0x13: {  	s7 =	sor.u32 s8, s7;
	_ =	strace $0x80000047;
	[dreg:$0x4] =	wrdreg s11  }
0x14: {  	s8 =	sadd.s32 s22, s6;
	[dreg:$0x6] =	wrdreg s2;
	s7 =	sshrl.u32 s7, $0x3  }
0x15: {  	s2 =	sshll.u32 @p3 s0, $0x6;
	s10 =	sadd.s32 s7, s6;
	s7 =	smul.u32 $0x2780, s0  }
0x16: {  	s22 =	simm.s32 $0x400;
	s13 =	sadd.s32 $0x1EE00, s8;
	s19 =	sor.u32 @p3 $0x1C03, s2  }
0x17: {  	s6 =	sadd.s32 $0x128400, s3;
	s11 =	sadd.s32 $0x12800, s10;
	s25 =	sadd.s32 s1, s7  }
0x18: {  	s18 =	sshrl.u32 @!p4 s6, $0x3;
	[dreg:$0x5] =	wrdreg s25;
	s25 =	simm.s32 $0x6780  }
.LBB2_1:
.Ltmp0:
0x19: {  	(pc) =	sbr.rel @!p1 .LBB2_4-.Ltmp0, $1  }
0x1a: {  	_ =	sdelay $0x3  }
0x1b: {  	s0 =	rddreg [dreg:$0x5]  }
.Ltmp1:
0x1c: {  	s2 =	rddreg [dreg:$0x6];
	(pc) =	sbr.rel .LBB2_3-.Ltmp1, $4  }
0x1d: {  	[spmem:s16], [sflag:s2] =	dma.local [hbm:s0], $0x2780  }
0x1e: {  	_ =	swait.ge [sflag:s17], $0x2780  }
0x1f: {  	[sflag:s17] =	ssyncset.done $0x0  }
0x20: {  	[sflag:s17] =	ssyncadd.s32 $0xFFFFD880  }
.LBB2_4:
.Ltmp2:
0x21: {  	(pc) =	sbr.rel @!p2 .LBB2_3-.Ltmp2, $1  }
0x22: {  	_ =	sdelay $0x3  }
0x23: {  	s2 =	sshrl.u32 s6, $0x3  }
.Ltmp3:
0x24: {  	s0 =	rddreg [dreg:$0x4];
	s8 =	simm.s32 $0x1FC3;
	(pc) =	sbr.rel .LBB2_6-.Ltmp3, $4  }
0x25: {  	[spmem:s2], [sflag:s8] =	dma.local [hbm:s0], $0x2080  }
0x26: {  	_ =	swait.ge [sflag:s17], $0x2080  }
0x27: {  	[sflag:s17] =	ssyncset.done $0x0  }
0x28: {  	[sflag:s17] =	ssyncadd.s32 $0xFFFFDF80  }
.LBB2_3:
0x29: {  	s2 =	simm.s32 @!p4 $0x1FC3  }
0x2a: {  	[spmem:s18], [sflag:s2] =	dma.local @!p4 [hbm:s5], $0x2080  }
0x2b: {  	s2 =	simm.s32 @!p4 $0x3  }
0x2c: {  	_ =	swait.ge @!p4 [sflag:s2], $0x2080  }
0x2d: {  	[sflag:s2] =	ssyncset.done @!p4 $0x0  }
0x2e: {  	[sflag:s2] =	ssyncadd.s32 @!p4 $0xFFFFDF80;
	s2 =	simm.s32 @p3 $0x3  }
0x2f: {  	[spmem:s20], [sflag:s19] =	dma.local @p3 [hbm:s5], $0x2780  }
0x30: {  	_ =	swait.ge @p3 [sflag:s2], $0x2780  }
0x31: {  	[sflag:s2] =	ssyncset.done @p3 $0x0  }
0x32: {  	[sflag:s2] =	ssyncadd.s32 @p3 $0xFFFFD880  }
.LBB2_6:
0x33: {  	s2 =	simm.s32 $0x0  }
0x34: {  	[tilespmem:s2], [sflag:$0x3] =	stream.strided.gather [hbm4b:s11+s21], $0x2780, s22, s21, $0x38;
	[tilespmem:$0x1F040] =	vst v63  }
0x35: {  	_ =	swait.ge [sflag:s17], $0x2780  }
0x36: {  	[sflag:s17] =	ssyncset.done $0x0  }
0x37: {  	[sflag:s17] =	ssyncadd.s32 $0xFFFFD880  }
0x38: {  	[tilespmem:s23], [sflag:$0x3] =	stream.linear.gather [hbm4b:s12+s2], $0x3F00, $0x38;
	[tilespmem:$0x1F040] =	vst v63  }
0x39: {  	_ =	swait.ge [sflag:s17], $0x3F00  }
0x3a: {  	[sflag:s17] =	ssyncset.done $0x0  }
0x3b: {  	[sflag:s17] =	ssyncadd.s32 $0xFFFFC100  }
0x3c: {  	[tilespmem:s25], [sflag:$0x1] =	stream.indirect.gather [hbm4b:s1+s24], $0x80, s2, s24, $0xb8;
	[tilespmem:$0x1F040] =	vst v63  }
0x3d: {  	_ = 	snop  }
0x3e: {  	[tilespmem:s26], [sflag:$0x2] =	stream.indirect.gather [hbm4b:s1+s24], $0x80, s24, s24, $0xb8;
	[tilespmem:$0x1F040] =	vst v63  }
0x3f: {  	[bflag:$0x0] =	sbarrier.arrive $0xFFFF  }
0x40: {  	_ =	swait.ge [sflag:s28], $0x2800  }
0x41: {  	[sflag:s28] =	ssyncset.done $0x0  }
0x42: {  	s8 =	simm.s32 $0x2780;
	[sflag:s28] =	ssyncadd.s32 $0xFFFFD800  }
0x43: {  	[spmem:s3] =	stream.indirect.scatter.add.f32 [tilespmem:s25], [sflag:$0x3], $0x80, s8, s24, $0xb8;
	[tilespmem:$0x1F040] =	vst v63  }
0x44: {  	_ =	swait.ge [sflag:s17], $0x2800  }
0x45: {  	[sflag:s17] =	ssyncset.done $0x0  }
0x46: {  	s10 =	simm.s32 $0xA0;
	[sflag:s17] =	ssyncadd.s32 $0xFFFFD800  }
0x47: {  	[tilespmem:s25], [sflag:$0x1] =	stream.indirect.gather [hbm4b:s1+s24], $0x80, s10, s24, $0xb8;
	[tilespmem:$0x1F040] =	vst v63  }
0x48: {  	_ =	swait.ge [sflag:s29], $0x2800  }
0x49: {  	[sflag:s29] =	ssyncset.done $0x0  }
0x4a: {  	s15 =	simm.s32 $0x2800;
	[sflag:s29] =	ssyncadd.s32 $0xFFFFD800  }
0x4b: {  	[spmem:s3] =	stream.indirect.scatter.add.f32 [tilespmem:s26], [sflag:$0x3], $0x80, s15, s24, $0xb8;
	[tilespmem:$0x1F040] =	vst v63  }
0x4c: {  	_ =	swait.ge [sflag:s17], $0x2800  }
0x4d: {  	s2 =	simm.s32 $0xF0;
	[sflag:s17] =	ssyncset.done $0x0  }
0x4e: {  	s8 =	simm.s32 $0x400;
	s10 =	simm.s32 $0x190;
	[sflag:s17] =	ssyncadd.s32 $0xFFFFD800  }
.LBB2_7:
0x4f: {  	[tilespmem:s26], [sflag:$0x2] =	stream.indirect.gather [hbm4b:s1+s24], $0x80, s2, s24, $0xb8;
	[tilespmem:$0x1F040] =	vst v63  }
0x50: {  	s0 =	smov.u32 s8;
	s2 =	smov.u32 s10  }
0x51: {  	p5 =	sne.s32 s8, $0xF400;
	s8 =	sadd.s32 $0x400, s8;
	_ =	swait.ge [sflag:s28], $0x2800  }
0x52: {  	s0 =	sshra.s32 s0, $0x2;
	[sflag:s28] =	ssyncset.done $0x0  }
0x53: {  	s15 =	sadd.s32 $0x2780, s0;
	[sflag:s28] =	ssyncadd.s32 $0xFFFFD800  }
0x54: {  	[spmem:s3] =	stream.indirect.scatter.add.f32 [tilespmem:s25], [sflag:$0x3], $0x80, s15, s24, $0xb8;
	[tilespmem:$0x1F040] =	vst v63  }
0x55: {  	_ =	swait.ge [sflag:s17], $0x2800  }
0x56: {  	[sflag:s17] =	ssyncset.done $0x0  }
0x57: {  	s15 =	sadd.s32 $0xFFFFFFB0, s10;
	[sflag:s17] =	ssyncadd.s32 $0xFFFFD800  }
0x58: {  	[tilespmem:s25], [sflag:$0x1] =	stream.indirect.gather [hbm4b:s1+s24], $0x80, s15, s24, $0xb8;
	[tilespmem:$0x1F040] =	vst v63  }
0x59: {  	_ =	swait.ge [sflag:s29], $0x2800  }
0x5a: {  	[sflag:s29] =	ssyncset.done $0x0  }
.Ltmp4:
0x5b: {  	s0 =	sadd.s32 $0x2800, s0;
	[sflag:s29] =	ssyncadd.s32 $0xFFFFD800;
	(pc) =	sbr.rel @p5 .LBB2_7-.Ltmp4, $4  }
0x5c: {  	[spmem:s3] =	stream.indirect.scatter.add.f32 [tilespmem:s26], [sflag:$0x3], $0x80, s0, s24, $0xb8;
	[tilespmem:$0x1F040] =	vst v63  }
0x5d: {  	_ =	swait.ge [sflag:s17], $0x2800  }
0x5e: {  	[sflag:s17] =	ssyncset.done $0x0  }
0x5f: {  	s10 =	sadd.s32 $0xA0, s10;
	[sflag:s17] =	ssyncadd.s32 $0xFFFFD800  }
0x60: {  	[tilespmem:s26], [sflag:$0x2] =	stream.indirect.gather [hbm4b:s1+s24], $0x80, s2, s24, $0xb8;
	[tilespmem:$0x1F040] =	vst v63  }
0x61: {  	_ =	swait.ge [sflag:s28], $0x2800  }
0x62: {  	[sflag:s28] =	ssyncset.done $0x0  }
0x63: {  	[sflag:s28] =	ssyncadd.s32 $0xFFFFD800  }
0x64: {  	[spmem:s3] =	stream.indirect.scatter.add.f32 [tilespmem:s25], [sflag:$0x3], $0x80, s30, s24, $0xb8;
	[tilespmem:$0x1F040] =	vst v63  }
0x65: {  	_ =	swait.ge [sflag:s17], $0x2800  }
0x66: {  	[sflag:s17] =	ssyncset.done $0x0  }
0x67: {  	[sflag:s17] =	ssyncadd.s32 $0xFFFFD800  }
0x68: {  	_ =	swait.ge [sflag:s29], $0x2800  }
0x69: {  	[sflag:s29] =	ssyncset.done $0x0  }
0x6a: {  	[sflag:s29] =	ssyncadd.s32 $0xFFFFD800  }
0x6b: {  	[spmem:s3] =	stream.indirect.scatter.add.f32 [tilespmem:s26], [sflag:$0x3], $0x80, s31, s24, $0xb8;
	[tilespmem:$0x1F040] =	vst v63  }
0x6c: {  	_ =	swait.ge [sflag:s17], $0x2800  }
0x6d: {  	[sflag:s17] =	ssyncset.done $0x0  }
0x6e: {  	s0 =	sadd.s32 @p0 $0x25080, s13;
	[sflag:s17] =	ssyncadd.s32 $0xFFFFD800  }
0x6f: {  	s2 =	sshrl.u32 @p0 s6, $0x3;
	s8 =	simm.s32 @p0 $0x1FC3;
	[bflag:$0x0] =	sbarrier.arrive $0xFFFF  }
0x70: {  	[hbm:s0], [sflag:s8] =	dma.local @p0 [spmem:s2], $0x2080  }
0x71: {  	s0 =	simm.s32 @p0 $0x3  }
0x72: {  	_ =	swait.ge @p0 [sflag:s0], $0x2080  }
0x73: {  	[sflag:s0] =	ssyncset.done @p0 $0x0  }
0x74: {  	s4 =	sadd.s32 $0x1, s4;
	[sflag:s0] =	ssyncadd.s32 @p0 $0xFFFFDF80;
	s0 =	stileid.u32  }
0x75: {  	p5 =	sne.s32 s4, s14;
	s0 =	sshll.u32 @!p0 s0, $0x6  }
0x76: {  	s2 =	sadd.s32 @!p0 s7, s13;
	s8 =	sshrl.u32 @!p0 s9, $0x3;
	s0 =	sor.u32 @!p0 $0x1C03, s0  }
0x77: {  	[hbm:s2], [sflag:s0] =	dma.local @!p0 [spmem:s8], $0x2780  }
.Ltmp5:
0x78: {  	_ = 	snop;
	(pc) =	sbr.rel @p5 .LBB2_1-.Ltmp5, $4  }
0x79: {  	s0 =	simm.s32 @!p0 $0x3  }
0x7a: {  	_ =	swait.ge @!p0 [sflag:s0], $0x2780  }
0x7b: {  	[sflag:s0] =	ssyncset.done @!p0 $0x0  }
0x7c: {  	[sflag:s0] =	ssyncadd.s32 @!p0 $0xFFFFD880  }
0x7d: {  	_ =	sfence.sel $0x180000  }
0x7e: {  	[bflag:$0x0] =	sbarrier.arrive $0xFFFF  }
0x7f: {  	_ =	strace $0x90000047  }
0x80: {  	s0 =	stileid.u32;
	[bflag:$0x2] =	sbarrier.arrive $0xFFFF  }
0x81: {  	p0 =	sne.s32 s0, $0x0;
	s0 =	rddreg [dreg:$0x3]  }
0x82: {  	s0 =	sadd.s32 @!p0 $0x100000, s0  }
0x83: {  	[sflag:s0] =	ssyncadd.tile.s32 @!p0 $0x1;
	_ =	shalt  }
.Lfunc_end2:
_tile_overlayer_lowered:
.L_overlay_start_2:
0x84: {  	(tag) =	ssettag $0x2  }
0x85: {  	s0 =	rddreg [dreg:$0x0];
	s2 =	stileid.u32  }
0x86: {  	s1 =	rddreg [dreg:$0x1];
	p0 =	sne.s32 s2, $0x0  }
0x87: {  	s3 =	rddreg [dreg:$0x2];
	[bflag:$0x3] =	sbarrier.arrive $0xFFFF;
	s2 =	simm.s32 @!p0 $0x1C03  }
0x88: {  	[timem:s3], [sflag:s2] =	dma.local @!p0 [hbm:s0], s1  }
0x89: {  	s0 =	simm.s32 @!p0 $0x3  }
0x8a: {  	_ =	swait.ge @!p0 [sflag:s0], s1  }
0x8b: {  	s1 =	ssub.s32 @!p0 $0x0, s1;
	[sflag:s0] =	ssyncset.done @!p0 $0x0  }
0x8c: {  	[sflag:s0] =	ssyncadd.s32 @!p0 s1  }
0x8d: {  	[bflag:$0x3] =	sbarrier.arrive $0xFFFF  }
0x8e: {  	_ =	shalt  }

</sc_bundles>
